<compile_context>
chip_gen: v7x
topology: tpu7x:2x2x1
jax: 0.10.2.dev20260603
libtpu: 0.0.44.dev20260713+nightly
codegen_flags: <defaults>
</compile_context>

<pallas_src>
import dataclasses

import jax
import jax.numpy as jnp
from jax import lax
from jax.experimental import pallas as pl
from jax.experimental.pallas import tpu as pltpu
from jax.experimental.pallas import tpu_sc as plsc

NB = 10000
B = 16384
NC = 2
NS = 16
NW = NC * NS
CHUNK = B // NW
L = 16
IDXW = 128
NG = CHUNK // IDXW


def _sc_body(fw_hbm, pq_hbm, tab_hbm, out_hbm,
             fw_v, pq_v, i0, i1, i2, i3, vals_v, out_v, sem):
    idx_refs = (i0, i1, i2, i3)
    wid = lax.axis_index("s") * NC + lax.axis_index("c")
    base = wid * CHUNK

    cp_fw = pltpu.async_copy(fw_hbm.at[pl.ds(base, CHUNK)], fw_v, sem)
    cp_pq = pltpu.async_copy(pq_hbm.at[pl.ds(base, CHUNK)], pq_v, sem)
    cp_fw.wait()
    cp_pq.wait()

    for j in range(CHUNK // L):
        fw = fw_v[pl.ds(j * L, L)]
        pq = pq_v[pl.ds(j * L, L)]
        flat = fw * NB + pq
        idx_refs[j // (IDXW // L)][pl.ds((j % (IDXW // L)) * L, L)] = (
            lax.shift_right_logical(flat, 7))

    gathers = [
        pltpu.async_copy(tab_hbm.at[idx_refs[g]],
                         vals_v.at[pl.ds(g * IDXW, IDXW)], sem)
        for g in range(NG)
    ]
    for c in gathers:
        c.wait()

    lane = lax.iota(jnp.int32, L)
    for j in range(CHUNK // L):
        fw = fw_v[pl.ds(j * L, L)]
        pq = pq_v[pl.ds(j * L, L)]
        col = (fw * NB + pq) & 127
        x = plsc.load_gather(vals_v, [j * L + lane, col])
        out_v[pl.ds(j * L, L)] = 1.0 / (1.0 + jnp.exp(-x))

    pltpu.sync_copy(out_v, out_hbm.at[pl.ds(base, CHUNK)])


def kernel(z, fromWho, pourQui, embeds):
    fw = fromWho.reshape(-1).astype(jnp.int32)
    pq = pourQui.reshape(-1).astype(jnp.int32)
    tab = embeds.reshape(NB * NB // 128, 128)

    mesh = plsc.VectorSubcoreMesh(core_axis_name="c", subcore_axis_name="s")
    cp = pltpu.CompilerParams()
    if "needs_layout_passes" in pltpu.CompilerParams.__dataclass_fields__:
        cp = dataclasses.replace(cp, needs_layout_passes=False)
    k = pl.kernel(
        _sc_body,
        out_type=jax.ShapeDtypeStruct((B,), jnp.float32),
        mesh=mesh,
        compiler_params=cp,
        scratch_types=[
            pltpu.VMEM((CHUNK,), jnp.int32),
            pltpu.VMEM((CHUNK,), jnp.int32),
            pltpu.VMEM((IDXW,), jnp.int32),
            pltpu.VMEM((IDXW,), jnp.int32),
            pltpu.VMEM((IDXW,), jnp.int32),
            pltpu.VMEM((IDXW,), jnp.int32),
            pltpu.VMEM((CHUNK, 128), jnp.float32),
            pltpu.VMEM((CHUNK,), jnp.float32),
            pltpu.SemaphoreType.DMA,
        ],
    )
    return k(fw, pq, tab)

# --- scband reference (transcript-rebuilt; emitter-appended) ---
"""Pipeline reference for scband-knet-fake-3358664426332 (READ-ONLY COPY).

The authoritative reference and input builder live on the scoring server;
editing this copy changes nothing except your own understanding.
"""

import jax, jax.numpy as jnp
import numpy as np

NB_NODES = 10000
BATCH = 16384


def setup_inputs(seed: int = 0) -> dict:
    key = jax.random.key(seed)
    k1, k2, k3, k4 = jax.random.split(key, 4)
    z = jax.random.normal(k1, (BATCH, 1), dtype=jnp.float32)
    fromWho = jax.random.randint(k2, (BATCH,), 0, NB_NODES, dtype=jnp.int64)
    pourQui = jax.random.randint(k3, (BATCH,), 0, NB_NODES, dtype=jnp.int64)
    # nn.Embedding(nbNodes, nbNodes) weight, default init ~ N(0,1)
    embeds = jax.random.normal(k4, (NB_NODES, NB_NODES), dtype=jnp.float32)
    return {"z": z, "fromWho": fromWho, "pourQui": pourQui, "embeds": embeds}


def reference(z, fromWho, pourQui, embeds):
    # u = self.embeds(fromWho.view(-1))  -> gather rows: [B, nbNodes]
    fw = fromWho.reshape(-1)
    u = jnp.take(embeds, fw, axis=0)
    # x = pourQui.view(-1,1,1).expand(-1, z.size(1), -1) -> [B, z1, 1]
    B = u.shape[0]
    x_idx = jnp.broadcast_to(pourQui.reshape(-1, 1, 1), (pourQui.shape[0], z.shape[1], 1)).reshape(-1)
    # x = u[range(B), x_idx]  (requires z.size(1)==1 so lengths match)
    x = u[jnp.arange(B), x_idx]
    return jax.nn.sigmoid(x)

if __name__ == "__main__":
    import jax
    _d = setup_inputs()
    print(jax.jit(kernel)(*tuple(_d.values())))

</pallas_src>

<mosaic_0001>
#map = affine_map<(d0, d1) -> (0)>
#map1 = affine_map<(d0, d1) -> (0, 0)>
module attributes {stable_mosaic.version = 14 : i64} {
  func.func @_sc_body(%arg0: i32, %arg1: i32, %arg2: memref<16384xi32, #tpu.memory_space<hbm>>, %arg3: memref<16384xi32, #tpu.memory_space<hbm>>, %arg4: memref<781250x128xf32, #tpu.memory_space<hbm>>, %arg5: memref<16384xf32, #tpu.memory_space<hbm>>, %arg6: memref<512xi32, #tpu.memory_space<vmem>>, %arg7: memref<512xi32, #tpu.memory_space<vmem>>, %arg8: memref<128xi32, #tpu.memory_space<vmem>>, %arg9: memref<128xi32, #tpu.memory_space<vmem>>, %arg10: memref<128xi32, #tpu.memory_space<vmem>>, %arg11: memref<128xi32, #tpu.memory_space<vmem>>, %arg12: memref<512x128xf32, #tpu.memory_space<vmem>>, %arg13: memref<512xf32, #tpu.memory_space<vmem>>, %arg14: memref<!tpu.dma_semaphore, #tpu.memory_space<semaphore_mem>>) attributes {dimension_semantics = [#tpu.dimension_semantics<core_parallel>, #tpu.dimension_semantics<subcore_parallel>], iteration_bounds = array<i64: 2, 16>, scalar_prefetch = 0 : i64, scratch_operands = 9 : i64, tpu.core_type = #tpu.core_type<sc_vector_subcore>, window_params = [{transform_indices = #map}, {transform_indices = #map}, {transform_indices = #map1}, {transform_indices = #map}]} {
    %mul3A = arith.constant 2 : i32
    %mul3A_0 = arith.muli %arg1, %mul3A : i32
    %add3A = arith.addi %mul3A_0, %arg0 : i32
    %mul3A_1 = arith.constant 512 : i32
    %mul3A_2 = arith.muli %add3A, %mul3A_1 : i32
    %dma_start3A = tpu.memref_slice %arg2[%mul3A_2] : memref<16384xi32, #tpu.memory_space<hbm>> -> memref<512xi32, #tpu.memory_space<hbm>>
    %dma_start3A_3 = tpu.memref_slice %arg2[%mul3A_2] : memref<16384xi32, #tpu.memory_space<hbm>> -> memref<512xi32, #tpu.memory_space<hbm>>
    tpu.enqueue_dma source(%dma_start3A_3 : memref<512xi32, #tpu.memory_space<hbm>>) target(%arg6 : memref<512xi32, #tpu.memory_space<vmem>>) target_semaphore(%arg14 : memref<!tpu.dma_semaphore, #tpu.memory_space<semaphore_mem>>)
    %dma_start3A_4 = tpu.memref_slice %arg3[%mul3A_2] : memref<16384xi32, #tpu.memory_space<hbm>> -> memref<512xi32, #tpu.memory_space<hbm>>
    %dma_start3A_5 = tpu.memref_slice %arg3[%mul3A_2] : memref<16384xi32, #tpu.memory_space<hbm>> -> memref<512xi32, #tpu.memory_space<hbm>>
    tpu.enqueue_dma source(%dma_start3A_5 : memref<512xi32, #tpu.memory_space<hbm>>) target(%arg7 : memref<512xi32, #tpu.memory_space<vmem>>) target_semaphore(%arg14 : memref<!tpu.dma_semaphore, #tpu.memory_space<semaphore_mem>>)
    %dma_wait3A = tpu.memref_slice %arg2[%mul3A_2] : memref<16384xi32, #tpu.memory_space<hbm>> -> memref<512xi32, #tpu.memory_space<hbm>>
    %dma_wait3A_6 = tpu.memref_slice %arg2[%mul3A_2] : memref<16384xi32, #tpu.memory_space<hbm>> -> memref<512xi32, #tpu.memory_space<hbm>>
    tpu.wait_dma2 semaphore(%arg14 : memref<!tpu.dma_semaphore, #tpu.memory_space<semaphore_mem>>) src(%dma_wait3A_6 : memref<512xi32, #tpu.memory_space<hbm>>) dst(%arg6 : memref<512xi32, #tpu.memory_space<vmem>>)
    %dma_wait3A_7 = tpu.memref_slice %arg3[%mul3A_2] : memref<16384xi32, #tpu.memory_space<hbm>> -> memref<512xi32, #tpu.memory_space<hbm>>
    %dma_wait3A_8 = tpu.memref_slice %arg3[%mul3A_2] : memref<16384xi32, #tpu.memory_space<hbm>> -> memref<512xi32, #tpu.memory_space<hbm>>
    tpu.wait_dma2 semaphore(%arg14 : memref<!tpu.dma_semaphore, #tpu.memory_space<semaphore_mem>>) src(%dma_wait3A_8 : memref<512xi32, #tpu.memory_space<hbm>>) dst(%arg7 : memref<512xi32, #tpu.memory_space<vmem>>)
    %get3A = arith.constant 0 : index
    %get3A_9 = tpu.vector_load %arg6[%get3A] {strides = array<i32>} : memref<512xi32, #tpu.memory_space<vmem>>, vector<16xi32>,
    %get3A_10 = arith.constant 0 : index
    %get3A_11 = tpu.vector_load %arg7[%get3A_10] {strides = array<i32>} : memref<512xi32, #tpu.memory_space<vmem>>, vector<16xi32>,
    %mul3A_12 = arith.constant 10000 : i32
    %mul3A_13 = vector.broadcast %mul3A_12 : i32 to vector<16xi32>
    %mul3A_14 = arith.muli %get3A_9, %mul3A_13 : vector<16xi32>
    %add3A_15 = arith.addi %mul3A_14, %get3A_11 : vector<16xi32>
    %shift_right_logical3A = arith.constant 7 : i32
    %shift_right_logical3A_16 = vector.broadcast %shift_right_logical3A : i32 to vector<16xi32>
    %shift_right_logical3A_17 = arith.shrui %add3A_15, %shift_right_logical3A_16 : vector<16xi32>
    %swap3A = arith.constant 0 : index
    %swap3A_18 = tpu.vector_load %arg8[%swap3A] {strides = array<i32>} : memref<128xi32, #tpu.memory_space<vmem>>, vector<16xi32>,
    tpu.vector_store %arg8[%swap3A], %shift_right_logical3A_17 {strides = array<i32>} : memref<128xi32, #tpu.memory_space<vmem>>, vector<16xi32>,
    %get3A_19 = arith.constant 16 : index
    %get3A_20 = tpu.vector_load %arg6[%get3A_19] {strides = array<i32>} : memref<512xi32, #tpu.memory_space<vmem>>, vector<16xi32>,
    %get3A_21 = arith.constant 16 : index
    %get3A_22 = tpu.vector_load %arg7[%get3A_21] {strides = array<i32>} : memref<512xi32, #tpu.memory_space<vmem>>, vector<16xi32>,
    %mul3A_23 = arith.constant 10000 : i32
    %mul3A_24 = vector.broadcast %mul3A_23 : i32 to vector<16xi32>
    %mul3A_25 = arith.muli %get3A_20, %mul3A_24 : vector<16xi32>
    %add3A_26 = arith.addi %mul3A_25, %get3A_22 : vector<16xi32>
    %shift_right_logical3A_27 = arith.constant 7 : i32
    %shift_right_logical3A_28 = vector.broadcast %shift_right_logical3A_27 : i32 to vector<16xi32>
    %shift_right_logical3A_29 = arith.shrui %add3A_26, %shift_right_logical3A_28 : vector<16xi32>
    %swap3A_30 = arith.constant 16 : index
    %swap3A_31 = tpu.vector_load %arg8[%swap3A_30] {strides = array<i32>} : memref<128xi32, #tpu.memory_space<vmem>>, vector<16xi32>,
    tpu.vector_store %arg8[%swap3A_30], %shift_right_logical3A_29 {strides = array<i32>} : memref<128xi32, #tpu.memory_space<vmem>>, vector<16xi32>,
    %get3A_32 = arith.constant 32 : index
    %get3A_33 = tpu.vector_load %arg6[%get3A_32] {strides = array<i32>} : memref<512xi32, #tpu.memory_space<vmem>>, vector<16xi32>,
    %get3A_34 = arith.constant 32 : index
    %get3A_35 = tpu.vector_load %arg7[%get3A_34] {strides = array<i32>} : memref<512xi32, #tpu.memory_space<vmem>>, vector<16xi32>,
    %mul3A_36 = arith.constant 10000 : i32
    %mul3A_37 = vector.broadcast %mul3A_36 : i32 to vector<16xi32>
    %mul3A_38 = arith.muli %get3A_33, %mul3A_37 : vector<16xi32>
    %add3A_39 = arith.addi %mul3A_38, %get3A_35 : vector<16xi32>
    %shift_right_logical3A_40 = arith.constant 7 : i32
    %shift_right_logical3A_41 = vector.broadcast %shift_right_logical3A_40 : i32 to vector<16xi32>
    %shift_right_logical3A_42 = arith.shrui %add3A_39, %shift_right_logical3A_41 : vector<16xi32>
    %swap3A_43 = arith.constant 32 : index
    %swap3A_44 = tpu.vector_load %arg8[%swap3A_43] {strides = array<i32>} : memref<128xi32, #tpu.memory_space<vmem>>, vector<16xi32>,
    tpu.vector_store %arg8[%swap3A_43], %shift_right_logical3A_42 {strides = array<i32>} : memref<128xi32, #tpu.memory_space<vmem>>, vector<16xi32>,
    %get3A_45 = arith.constant 48 : index
    %get3A_46 = tpu.vector_load %arg6[%get3A_45] {strides = array<i32>} : memref<512xi32, #tpu.memory_space<vmem>>, vector<16xi32>,
    %get3A_47 = arith.constant 48 : index
    %get3A_48 = tpu.vector_load %arg7[%get3A_47] {strides = array<i32>} : memref<512xi32, #tpu.memory_space<vmem>>, vector<16xi32>,
    %mul3A_49 = arith.constant 10000 : i32
    %mul3A_50 = vector.broadcast %mul3A_49 : i32 to vector<16xi32>
    %mul3A_51 = arith.muli %get3A_46, %mul3A_50 : vector<16xi32>
    %add3A_52 = arith.addi %mul3A_51, %get3A_48 : vector<16xi32>
    %shift_right_logical3A_53 = arith.constant 7 : i32
    %shift_right_logical3A_54 = vector.broadcast %shift_right_logical3A_53 : i32 to vector<16xi32>
    %shift_right_logical3A_55 = arith.shrui %add3A_52, %shift_right_logical3A_54 : vector<16xi32>
    %swap3A_56 = arith.constant 48 : index
    %swap3A_57 = tpu.vector_load %arg8[%swap3A_56] {strides = array<i32>} : memref<128xi32, #tpu.memory_space<vmem>>, vector<16xi32>,
    tpu.vector_store %arg8[%swap3A_56], %shift_right_logical3A_55 {strides = array<i32>} : memref<128xi32, #tpu.memory_space<vmem>>, vector<16xi32>,
    %get3A_58 = arith.constant 64 : index
    %get3A_59 = tpu.vector_load %arg6[%get3A_58] {strides = array<i32>} : memref<512xi32, #tpu.memory_space<vmem>>, vector<16xi32>,
    %get3A_60 = arith.constant 64 : index
    %get3A_61 = tpu.vector_load %arg7[%get3A_60] {strides = array<i32>} : memref<512xi32, #tpu.memory_space<vmem>>, vector<16xi32>,
    %mul3A_62 = arith.constant 10000 : i32
    %mul3A_63 = vector.broadcast %mul3A_62 : i32 to vector<16xi32>
    %mul3A_64 = arith.muli %get3A_59, %mul3A_63 : vector<16xi32>
    %add3A_65 = arith.addi %mul3A_64, %get3A_61 : vector<16xi32>
    %shift_right_logical3A_66 = arith.constant 7 : i32
    %shift_right_logical3A_67 = vector.broadcast %shift_right_logical3A_66 : i32 to vector<16xi32>
    %shift_right_logical3A_68 = arith.shrui %add3A_65, %shift_right_logical3A_67 : vector<16xi32>
    %swap3A_69 = arith.constant 64 : index
    %swap3A_70 = tpu.vector_load %arg8[%swap3A_69] {strides = array<i32>} : memref<128xi32, #tpu.memory_space<vmem>>, vector<16xi32>,
    tpu.vector_store %arg8[%swap3A_69], %shift_right_logical3A_68 {strides = array<i32>} : memref<128xi32, #tpu.memory_space<vmem>>, vector<16xi32>,
    %get3A_71 = arith.constant 80 : index
    %get3A_72 = tpu.vector_load %arg6[%get3A_71] {strides = array<i32>} : memref<512xi32, #tpu.memory_space<vmem>>, vector<16xi32>,
    %get3A_73 = arith.constant 80 : index
    %get3A_74 = tpu.vector_load %arg7[%get3A_73] {strides = array<i32>} : memref<512xi32, #tpu.memory_space<vmem>>, vector<16xi32>,
    %mul3A_75 = arith.constant 10000 : i32
    %mul3A_76 = vector.broadcast %mul3A_75 : i32 to vector<16xi32>
    %mul3A_77 = arith.muli %get3A_72, %mul3A_76 : vector<16xi32>
    %add3A_78 = arith.addi %mul3A_77, %get3A_74 : vector<16xi32>
    %shift_right_logical3A_79 = arith.constant 7 : i32
    %shift_right_logical3A_80 = vector.broadcast %shift_right_logical3A_79 : i32 to vector<16xi32>
    %shift_right_logical3A_81 = arith.shrui %add3A_78, %shift_right_logical3A_80 : vector<16xi32>
    %swap3A_82 = arith.constant 80 : index
    %swap3A_83 = tpu.vector_load %arg8[%swap3A_82] {strides = array<i32>} : memref<128xi32, #tpu.memory_space<vmem>>, vector<16xi32>,
    tpu.vector_store %arg8[%swap3A_82], %shift_right_logical3A_81 {strides = array<i32>} : memref<128xi32, #tpu.memory_space<vmem>>, vector<16xi32>,
    %get3A_84 = arith.constant 96 : index
    %get3A_85 = tpu.vector_load %arg6[%get3A_84] {strides = array<i32>} : memref<512xi32, #tpu.memory_space<vmem>>, vector<16xi32>,
    %get3A_86 = arith.constant 96 : index
    %get3A_87 = tpu.vector_load %arg7[%get3A_86] {strides = array<i32>} : memref<512xi32, #tpu.memory_space<vmem>>, vector<16xi32>,
    %mul3A_88 = arith.constant 10000 : i32
    %mul3A_89 = vector.broadcast %mul3A_88 : i32 to vector<16xi32>
    %mul3A_90 = arith.muli %get3A_85, %mul3A_89 : vector<16xi32>
    %add3A_91 = arith.addi %mul3A_90, %get3A_87 : vector<16xi32>
    %shift_right_logical3A_92 = arith.constant 7 : i32
    %shift_right_logical3A_93 = vector.broadcast %shift_right_logical3A_92 : i32 to vector<16xi32>
    %shift_right_logical3A_94 = arith.shrui %add3A_91, %shift_right_logical3A_93 : vector<16xi32>
    %swap3A_95 = arith.constant 96 : index
    %swap3A_96 = tpu.vector_load %arg8[%swap3A_95] {strides = array<i32>} : memref<128xi32, #tpu.memory_space<vmem>>, vector<16xi32>,
    tpu.vector_store %arg8[%swap3A_95], %shift_right_logical3A_94 {strides = array<i32>} : memref<128xi32, #tpu.memory_space<vmem>>, vector<16xi32>,
    %get3A_97 = arith.constant 112 : index
    %get3A_98 = tpu.vector_load %arg6[%get3A_97] {strides = array<i32>} : memref<512xi32, #tpu.memory_space<vmem>>, vector<16xi32>,
    %get3A_99 = arith.constant 112 : index
    %get3A_100 = tpu.vector_load %arg7[%get3A_99] {strides = array<i32>} : memref<512xi32, #tpu.memory_space<vmem>>, vector<16xi32>,
    %mul3A_101 = arith.constant 10000 : i32
    %mul3A_102 = vector.broadcast %mul3A_101 : i32 to vector<16xi32>
    %mul3A_103 = arith.muli %get3A_98, %mul3A_102 : vector<16xi32>
    %add3A_104 = arith.addi %mul3A_103, %get3A_100 : vector<16xi32>
    %shift_right_logical3A_105 = arith.constant 7 : i32
    %shift_right_logical3A_106 = vector.broadcast %shift_right_logical3A_105 : i32 to vector<16xi32>
    %shift_right_logical3A_107 = arith.shrui %add3A_104, %shift_right_logical3A_106 : vector<16xi32>
    %swap3A_108 = arith.constant 112 : index
    %swap3A_109 = tpu.vector_load %arg8[%swap3A_108] {strides = array<i32>} : memref<128xi32, #tpu.memory_space<vmem>>, vector<16xi32>,
    tpu.vector_store %arg8[%swap3A_108], %shift_right_logical3A_107 {strides = array<i32>} : memref<128xi32, #tpu.memory_space<vmem>>, vector<16xi32>,
    %get3A_110 = arith.constant 128 : index
    %get3A_111 = tpu.vector_load %arg6[%get3A_110] {strides = array<i32>} : memref<512xi32, #tpu.memory_space<vmem>>, vector<16xi32>,
    %get3A_112 = arith.constant 128 : index
    %get3A_113 = tpu.vector_load %arg7[%get3A_112] {strides = array<i32>} : memref<512xi32, #tpu.memory_space<vmem>>, vector<16xi32>,
    %mul3A_114 = arith.constant 10000 : i32
    %mul3A_115 = vector.broadcast %mul3A_114 : i32 to vector<16xi32>
    %mul3A_116 = arith.muli %get3A_111, %mul3A_115 : vector<16xi32>
    %add3A_117 = arith.addi %mul3A_116, %get3A_113 : vector<16xi32>
    %shift_right_logical3A_118 = arith.constant 7 : i32
    %shift_right_logical3A_119 = vector.broadcast %shift_right_logical3A_118 : i32 to vector<16xi32>
    %shift_right_logical3A_120 = arith.shrui %add3A_117, %shift_right_logical3A_119 : vector<16xi32>
    %swap3A_121 = arith.constant 0 : index
    %swap3A_122 = tpu.vector_load %arg9[%swap3A_121] {strides = array<i32>} : memref<128xi32, #tpu.memory_space<vmem>>, vector<16xi32>,
    tpu.vector_store %arg9[%swap3A_121], %shift_right_logical3A_120 {strides = array<i32>} : memref<128xi32, #tpu.memory_space<vmem>>, vector<16xi32>,
    %get3A_123 = arith.constant 144 : index
    %get3A_124 = tpu.vector_load %arg6[%get3A_123] {strides = array<i32>} : memref<512xi32, #tpu.memory_space<vmem>>, vector<16xi32>,
    %get3A_125 = arith.constant 144 : index
    %get3A_126 = tpu.vector_load %arg7[%get3A_125] {strides = array<i32>} : memref<512xi32, #tpu.memory_space<vmem>>, vector<16xi32>,
    %mul3A_127 = arith.constant 10000 : i32
    %mul3A_128 = vector.broadcast %mul3A_127 : i32 to vector<16xi32>
    %mul3A_129 = arith.muli %get3A_124, %mul3A_128 : vector<16xi32>
    %add3A_130 = arith.addi %mul3A_129, %get3A_126 : vector<16xi32>
    %shift_right_logical3A_131 = arith.constant 7 : i32
    %shift_right_logical3A_132 = vector.broadcast %shift_right_logical3A_131 : i32 to vector<16xi32>
    %shift_right_logical3A_133 = arith.shrui %add3A_130, %shift_right_logical3A_132 : vector<16xi32>
    %swap3A_134 = arith.constant 16 : index
    %swap3A_135 = tpu.vector_load %arg9[%swap3A_134] {strides = array<i32>} : memref<128xi32, #tpu.memory_space<vmem>>, vector<16xi32>,
    tpu.vector_store %arg9[%swap3A_134], %shift_right_logical3A_133 {strides = array<i32>} : memref<128xi32, #tpu.memory_space<vmem>>, vector<16xi32>,
    %get3A_136 = arith.constant 160 : index
    %get3A_137 = tpu.vector_load %arg6[%get3A_136] {strides = array<i32>} : memref<512xi32, #tpu.memory_space<vmem>>, vector<16xi32>,
    %get3A_138 = arith.constant 160 : index
    %get3A_139 = tpu.vector_load %arg7[%get3A_138] {strides = array<i32>} : memref<512xi32, #tpu.memory_space<vmem>>, vector<16xi32>,
    %mul3A_140 = arith.constant 10000 : i32
    %mul3A_141 = vector.broadcast %mul3A_140 : i32 to vector<16xi32>
    %mul3A_142 = arith.muli %get3A_137, %mul3A_141 : vector<16xi32>
    %add3A_143 = arith.addi %mul3A_142, %get3A_139 : vector<16xi32>
    %shift_right_logical3A_144 = arith.constant 7 : i32
    %shift_right_logical3A_145 = vector.broadcast %shift_right_logical3A_144 : i32 to vector<16xi32>
    %shift_right_logical3A_146 = arith.shrui %add3A_143, %shift_right_logical3A_145 : vector<16xi32>
    %swap3A_147 = arith.constant 32 : index
    %swap3A_148 = tpu.vector_load %arg9[%swap3A_147] {strides = array<i32>} : memref<128xi32, #tpu.memory_space<vmem>>, vector<16xi32>,
    tpu.vector_store %arg9[%swap3A_147], %shift_right_logical3A_146 {strides = array<i32>} : memref<128xi32, #tpu.memory_space<vmem>>, vector<16xi32>,
    %get3A_149 = arith.constant 176 : index
    %get3A_150 = tpu.vector_load %arg6[%get3A_149] {strides = array<i32>} : memref<512xi32, #tpu.memory_space<vmem>>, vector<16xi32>,
    %get3A_151 = arith.constant 176 : index
    %get3A_152 = tpu.vector_load %arg7[%get3A_151] {strides = array<i32>} : memref<512xi32, #tpu.memory_space<vmem>>, vector<16xi32>,
    %mul3A_153 = arith.constant 10000 : i32
    %mul3A_154 = vector.broadcast %mul3A_153 : i32 to vector<16xi32>
    %mul3A_155 = arith.muli %get3A_150, %mul3A_154 : vector<16xi32>
    %add3A_156 = arith.addi %mul3A_155, %get3A_152 : vector<16xi32>
    %shift_right_logical3A_157 = arith.constant 7 : i32
    %shift_right_logical3A_158 = vector.broadcast %shift_right_logical3A_157 : i32 to vector<16xi32>
    %shift_right_logical3A_159 = arith.shrui %add3A_156, %shift_right_logical3A_158 : vector<16xi32>
    %swap3A_160 = arith.constant 48 : index
    %swap3A_161 = tpu.vector_load %arg9[%swap3A_160] {strides = array<i32>} : memref<128xi32, #tpu.memory_space<vmem>>, vector<16xi32>,
    tpu.vector_store %arg9[%swap3A_160], %shift_right_logical3A_159 {strides = array<i32>} : memref<128xi32, #tpu.memory_space<vmem>>, vector<16xi32>,
    %get3A_162 = arith.constant 192 : index
    %get3A_163 = tpu.vector_load %arg6[%get3A_162] {strides = array<i32>} : memref<512xi32, #tpu.memory_space<vmem>>, vector<16xi32>,
    %get3A_164 = arith.constant 192 : index
    %get3A_165 = tpu.vector_load %arg7[%get3A_164] {strides = array<i32>} : memref<512xi32, #tpu.memory_space<vmem>>, vector<16xi32>,
    %mul3A_166 = arith.constant 10000 : i32
    %mul3A_167 = vector.broadcast %mul3A_166 : i32 to vector<16xi32>
    %mul3A_168 = arith.muli %get3A_163, %mul3A_167 : vector<16xi32>
    %add3A_169 = arith.addi %mul3A_168, %get3A_165 : vector<16xi32>
    %shift_right_logical3A_170 = arith.constant 7 : i32
    %shift_right_logical3A_171 = vector.broadcast %shift_right_logical3A_170 : i32 to vector<16xi32>
    %shift_right_logical3A_172 = arith.shrui %add3A_169, %shift_right_logical3A_171 : vector<16xi32>
    %swap3A_173 = arith.constant 64 : index
    %swap3A_174 = tpu.vector_load %arg9[%swap3A_173] {strides = array<i32>} : memref<128xi32, #tpu.memory_space<vmem>>, vector<16xi32>,
    tpu.vector_store %arg9[%swap3A_173], %shift_right_logical3A_172 {strides = array<i32>} : memref<128xi32, #tpu.memory_space<vmem>>, vector<16xi32>,
    %get3A_175 = arith.constant 208 : index
    %get3A_176 = tpu.vector_load %arg6[%get3A_175] {strides = array<i32>} : memref<512xi32, #tpu.memory_space<vmem>>, vector<16xi32>,
    %get3A_177 = arith.constant 208 : index
    %get3A_178 = tpu.vector_load %arg7[%get3A_177] {strides = array<i32>} : memref<512xi32, #tpu.memory_space<vmem>>, vector<16xi32>,
    %mul3A_179 = arith.constant 10000 : i32
    %mul3A_180 = vector.broadcast %mul3A_179 : i32 to vector<16xi32>
    %mul3A_181 = arith.muli %get3A_176, %mul3A_180 : vector<16xi32>
    %add3A_182 = arith.addi %mul3A_181, %get3A_178 : vector<16xi32>
    %shift_right_logical3A_183 = arith.constant 7 : i32
    %shift_right_logical3A_184 = vector.broadcast %shift_right_logical3A_183 : i32 to vector<16xi32>
    %shift_right_logical3A_185 = arith.shrui %add3A_182, %shift_right_logical3A_184 : vector<16xi32>
    %swap3A_186 = arith.constant 80 : index
    %swap3A_187 = tpu.vector_load %arg9[%swap3A_186] {strides = array<i32>} : memref<128xi32, #tpu.memory_space<vmem>>, vector<16xi32>,
    tpu.vector_store %arg9[%swap3A_186], %shift_right_logical3A_185 {strides = array<i32>} : memref<128xi32, #tpu.memory_space<vmem>>, vector<16xi32>,
    %get3A_188 = arith.constant 224 : index
    %get3A_189 = tpu.vector_load %arg6[%get3A_188] {strides = array<i32>} : memref<512xi32, #tpu.memory_space<vmem>>, vector<16xi32>,
    %get3A_190 = arith.constant 224 : index
    %get3A_191 = tpu.vector_load %arg7[%get3A_190] {strides = array<i32>} : memref<512xi32, #tpu.memory_space<vmem>>, vector<16xi32>,
    %mul3A_192 = arith.constant 10000 : i32
    %mul3A_193 = vector.broadcast %mul3A_192 : i32 to vector<16xi32>
    %mul3A_194 = arith.muli %get3A_189, %mul3A_193 : vector<16xi32>
    %add3A_195 = arith.addi %mul3A_194, %get3A_191 : vector<16xi32>
    %shift_right_logical3A_196 = arith.constant 7 : i32
    %shift_right_logical3A_197 = vector.broadcast %shift_right_logical3A_196 : i32 to vector<16xi32>
    %shift_right_logical3A_198 = arith.shrui %add3A_195, %shift_right_logical3A_197 : vector<16xi32>
    %swap3A_199 = arith.constant 96 : index
    %swap3A_200 = tpu.vector_load %arg9[%swap3A_199] {strides = array<i32>} : memref<128xi32, #tpu.memory_space<vmem>>, vector<16xi32>,
    tpu.vector_store %arg9[%swap3A_199], %shift_right_logical3A_198 {strides = array<i32>} : memref<128xi32, #tpu.memory_space<vmem>>, vector<16xi32>,
    %get3A_201 = arith.constant 240 : index
    %get3A_202 = tpu.vector_load %arg6[%get3A_201] {strides = array<i32>} : memref<512xi32, #tpu.memory_space<vmem>>, vector<16xi32>,
    %get3A_203 = arith.constant 240 : index
    %get3A_204 = tpu.vector_load %arg7[%get3A_203] {strides = array<i32>} : memref<512xi32, #tpu.memory_space<vmem>>, vector<16xi32>,
    %mul3A_205 = arith.constant 10000 : i32
    %mul3A_206 = vector.broadcast %mul3A_205 : i32 to vector<16xi32>
    %mul3A_207 = arith.muli %get3A_202, %mul3A_206 : vector<16xi32>
    %add3A_208 = arith.addi %mul3A_207, %get3A_204 : vector<16xi32>
    %shift_right_logical3A_209 = arith.constant 7 : i32
    %shift_right_logical3A_210 = vector.broadcast %shift_right_logical3A_209 : i32 to vector<16xi32>
    %shift_right_logical3A_211 = arith.shrui %add3A_208, %shift_right_logical3A_210 : vector<16xi32>
    %swap3A_212 = arith.constant 112 : index
    %swap3A_213 = tpu.vector_load %arg9[%swap3A_212] {strides = array<i32>} : memref<128xi32, #tpu.memory_space<vmem>>, vector<16xi32>,
    tpu.vector_store %arg9[%swap3A_212], %shift_right_logical3A_211 {strides = array<i32>} : memref<128xi32, #tpu.memory_space<vmem>>, vector<16xi32>,
    %get3A_214 = arith.constant 256 : index
    %get3A_215 = tpu.vector_load %arg6[%get3A_214] {strides = array<i32>} : memref<512xi32, #tpu.memory_space<vmem>>, vector<16xi32>,
    %get3A_216 = arith.constant 256 : index
    %get3A_217 = tpu.vector_load %arg7[%get3A_216] {strides = array<i32>} : memref<512xi32, #tpu.memory_space<vmem>>, vector<16xi32>,
    %mul3A_218 = arith.constant 10000 : i32
    %mul3A_219 = vector.broadcast %mul3A_218 : i32 to vector<16xi32>
    %mul3A_220 = arith.muli %get3A_215, %mul3A_219 : vector<16xi32>
    %add3A_221 = arith.addi %mul3A_220, %get3A_217 : vector<16xi32>
    %shift_right_logical3A_222 = arith.constant 7 : i32
    %shift_right_logical3A_223 = vector.broadcast %shift_right_logical3A_222 : i32 to vector<16xi32>
    %shift_right_logical3A_224 = arith.shrui %add3A_221, %shift_right_logical3A_223 : vector<16xi32>
    %swap3A_225 = arith.constant 0 : index
    %swap3A_226 = tpu.vector_load %arg10[%swap3A_225] {strides = array<i32>} : memref<128xi32, #tpu.memory_space<vmem>>, vector<16xi32>,
    tpu.vector_store %arg10[%swap3A_225], %shift_right_logical3A_224 {strides = array<i32>} : memref<128xi32, #tpu.memory_space<vmem>>, vector<16xi32>,
    %get3A_227 = arith.constant 272 : index
    %get3A_228 = tpu.vector_load %arg6[%get3A_227] {strides = array<i32>} : memref<512xi32, #tpu.memory_space<vmem>>, vector<16xi32>,
    %get3A_229 = arith.constant 272 : index
    %get3A_230 = tpu.vector_load %arg7[%get3A_229] {strides = array<i32>} : memref<512xi32, #tpu.memory_space<vmem>>, vector<16xi32>,
    %mul3A_231 = arith.constant 10000 : i32
    %mul3A_232 = vector.broadcast %mul3A_231 : i32 to vector<16xi32>
    %mul3A_233 = arith.muli %get3A_228, %mul3A_232 : vector<16xi32>
    %add3A_234 = arith.addi %mul3A_233, %get3A_230 : vector<16xi32>
    %shift_right_logical3A_235 = arith.constant 7 : i32
    %shift_right_logical3A_236 = vector.broadcast %shift_right_logical3A_235 : i32 to vector<16xi32>
    %shift_right_logical3A_237 = arith.shrui %add3A_234, %shift_right_logical3A_236 : vector<16xi32>
    %swap3A_238 = arith.constant 16 : index
    %swap3A_239 = tpu.vector_load %arg10[%swap3A_238] {strides = array<i32>} : memref<128xi32, #tpu.memory_space<vmem>>, vector<16xi32>,
    tpu.vector_store %arg10[%swap3A_238], %shift_right_logical3A_237 {strides = array<i32>} : memref<128xi32, #tpu.memory_space<vmem>>, vector<16xi32>,
    %get3A_240 = arith.constant 288 : index
    %get3A_241 = tpu.vector_load %arg6[%get3A_240] {strides = array<i32>} : memref<512xi32, #tpu.memory_space<vmem>>, vector<16xi32>,
    %get3A_242 = arith.constant 288 : index
    %get3A_243 = tpu.vector_load %arg7[%get3A_242] {strides = array<i32>} : memref<512xi32, #tpu.memory_space<vmem>>, vector<16xi32>,
    %mul3A_244 = arith.constant 10000 : i32
    %mul3A_245 = vector.broadcast %mul3A_244 : i32 to vector<16xi32>
    %mul3A_246 = arith.muli %get3A_241, %mul3A_245 : vector<16xi32>
    %add3A_247 = arith.addi %mul3A_246, %get3A_243 : vector<16xi32>
    %shift_right_logical3A_248 = arith.constant 7 : i32
    %shift_right_logical3A_249 = vector.broadcast %shift_right_logical3A_248 : i32 to vector<16xi32>
    %shift_right_logical3A_250 = arith.shrui %add3A_247, %shift_right_logical3A_249 : vector<16xi32>
    %swap3A_251 = arith.constant 32 : index
    %swap3A_252 = tpu.vector_load %arg10[%swap3A_251] {strides = array<i32>} : memref<128xi32, #tpu.memory_space<vmem>>, vector<16xi32>,
    tpu.vector_store %arg10[%swap3A_251], %shift_right_logical3A_250 {strides = array<i32>} : memref<128xi32, #tpu.memory_space<vmem>>, vector<16xi32>,
    %get3A_253 = arith.constant 304 : index
    %get3A_254 = tpu.vector_load %arg6[%get3A_253] {strides = array<i32>} : memref<512xi32, #tpu.memory_space<vmem>>, vector<16xi32>,
    %get3A_255 = arith.constant 304 : index
    %get3A_256 = tpu.vector_load %arg7[%get3A_255] {strides = array<i32>} : memref<512xi32, #tpu.memory_space<vmem>>, vector<16xi32>,
    %mul3A_257 = arith.constant 10000 : i32
    %mul3A_258 = vector.broadcast %mul3A_257 : i32 to vector<16xi32>
    %mul3A_259 = arith.muli %get3A_254, %mul3A_258 : vector<16xi32>
    %add3A_260 = arith.addi %mul3A_259, %get3A_256 : vector<16xi32>
    %shift_right_logical3A_261 = arith.constant 7 : i32
    %shift_right_logical3A_262 = vector.broadcast %shift_right_logical3A_261 : i32 to vector<16xi32>
    %shift_right_logical3A_263 = arith.shrui %add3A_260, %shift_right_logical3A_262 : vector<16xi32>
    %swap3A_264 = arith.constant 48 : index
    %swap3A_265 = tpu.vector_load %arg10[%swap3A_264] {strides = array<i32>} : memref<128xi32, #tpu.memory_space<vmem>>, vector<16xi32>,
    tpu.vector_store %arg10[%swap3A_264], %shift_right_logical3A_263 {strides = array<i32>} : memref<128xi32, #tpu.memory_space<vmem>>, vector<16xi32>,
    %get3A_266 = arith.constant 320 : index
    %get3A_267 = tpu.vector_load %arg6[%get3A_266] {strides = array<i32>} : memref<512xi32, #tpu.memory_space<vmem>>, vector<16xi32>,
    %get3A_268 = arith.constant 320 : index
    %get3A_269 = tpu.vector_load %arg7[%get3A_268] {strides = array<i32>} : memref<512xi32, #tpu.memory_space<vmem>>, vector<16xi32>,
    %mul3A_270 = arith.constant 10000 : i32
    %mul3A_271 = vector.broadcast %mul3A_270 : i32 to vector<16xi32>
    %mul3A_272 = arith.muli %get3A_267, %mul3A_271 : vector<16xi32>
    %add3A_273 = arith.addi %mul3A_272, %get3A_269 : vector<16xi32>
    %shift_right_logical3A_274 = arith.constant 7 : i32
    %shift_right_logical3A_275 = vector.broadcast %shift_right_logical3A_274 : i32 to vector<16xi32>
    %shift_right_logical3A_276 = arith.shrui %add3A_273, %shift_right_logical3A_275 : vector<16xi32>
    %swap3A_277 = arith.constant 64 : index
    %swap3A_278 = tpu.vector_load %arg10[%swap3A_277] {strides = array<i32>} : memref<128xi32, #tpu.memory_space<vmem>>, vector<16xi32>,
    tpu.vector_store %arg10[%swap3A_277], %shift_right_logical3A_276 {strides = array<i32>} : memref<128xi32, #tpu.memory_space<vmem>>, vector<16xi32>,
    %get3A_279 = arith.constant 336 : index
    %get3A_280 = tpu.vector_load %arg6[%get3A_279] {strides = array<i32>} : memref<512xi32, #tpu.memory_space<vmem>>, vector<16xi32>,
    %get3A_281 = arith.constant 336 : index
    %get3A_282 = tpu.vector_load %arg7[%get3A_281] {strides = array<i32>} : memref<512xi32, #tpu.memory_space<vmem>>, vector<16xi32>,
    %mul3A_283 = arith.constant 10000 : i32
    %mul3A_284 = vector.broadcast %mul3A_283 : i32 to vector<16xi32>
    %mul3A_285 = arith.muli %get3A_280, %mul3A_284 : vector<16xi32>
    %add3A_286 = arith.addi %mul3A_285, %get3A_282 : vector<16xi32>
    %shift_right_logical3A_287 = arith.constant 7 : i32
    %shift_right_logical3A_288 = vector.broadcast %shift_right_logical3A_287 : i32 to vector<16xi32>
    %shift_right_logical3A_289 = arith.shrui %add3A_286, %shift_right_logical3A_288 : vector<16xi32>
    %swap3A_290 = arith.constant 80 : index
    %swap3A_291 = tpu.vector_load %arg10[%swap3A_290] {strides = array<i32>} : memref<128xi32, #tpu.memory_space<vmem>>, vector<16xi32>,
    tpu.vector_store %arg10[%swap3A_290], %shift_right_logical3A_289 {strides = array<i32>} : memref<128xi32, #tpu.memory_space<vmem>>, vector<16xi32>,
    %get3A_292 = arith.constant 352 : index
    %get3A_293 = tpu.vector_load %arg6[%get3A_292] {strides = array<i32>} : memref<512xi32, #tpu.memory_space<vmem>>, vector<16xi32>,
    %get3A_294 = arith.constant 352 : index
    %get3A_295 = tpu.vector_load %arg7[%get3A_294] {strides = array<i32>} : memref<512xi32, #tpu.memory_space<vmem>>, vector<16xi32>,
    %mul3A_296 = arith.constant 10000 : i32
    %mul3A_297 = vector.broadcast %mul3A_296 : i32 to vector<16xi32>
    %mul3A_298 = arith.muli %get3A_293, %mul3A_297 : vector<16xi32>
    %add3A_299 = arith.addi %mul3A_298, %get3A_295 : vector<16xi32>
    %shift_right_logical3A_300 = arith.constant 7 : i32
    %shift_right_logical3A_301 = vector.broadcast %shift_right_logical3A_300 : i32 to vector<16xi32>
    %shift_right_logical3A_302 = arith.shrui %add3A_299, %shift_right_logical3A_301 : vector<16xi32>
    %swap3A_303 = arith.constant 96 : index
    %swap3A_304 = tpu.vector_load %arg10[%swap3A_303] {strides = array<i32>} : memref<128xi32, #tpu.memory_space<vmem>>, vector<16xi32>,
    tpu.vector_store %arg10[%swap3A_303], %shift_right_logical3A_302 {strides = array<i32>} : memref<128xi32, #tpu.memory_space<vmem>>, vector<16xi32>,
    %get3A_305 = arith.constant 368 : index
    %get3A_306 = tpu.vector_load %arg6[%get3A_305] {strides = array<i32>} : memref<512xi32, #tpu.memory_space<vmem>>, vector<16xi32>,
    %get3A_307 = arith.constant 368 : index
    %get3A_308 = tpu.vector_load %arg7[%get3A_307] {strides = array<i32>} : memref<512xi32, #tpu.memory_space<vmem>>, vector<16xi32>,
    %mul3A_309 = arith.constant 10000 : i32
    %mul3A_310 = vector.broadcast %mul3A_309 : i32 to vector<16xi32>
    %mul3A_311 = arith.muli %get3A_306, %mul3A_310 : vector<16xi32>
    %add3A_312 = arith.addi %mul3A_311, %get3A_308 : vector<16xi32>
    %shift_right_logical3A_313 = arith.constant 7 : i32
    %shift_right_logical3A_314 = vector.broadcast %shift_right_logical3A_313 : i32 to vector<16xi32>
    %shift_right_logical3A_315 = arith.shrui %add3A_312, %shift_right_logical3A_314 : vector<16xi32>
    %swap3A_316 = arith.constant 112 : index
    %swap3A_317 = tpu.vector_load %arg10[%swap3A_316] {strides = array<i32>} : memref<128xi32, #tpu.memory_space<vmem>>, vector<16xi32>,
    tpu.vector_store %arg10[%swap3A_316], %shift_right_logical3A_315 {strides = array<i32>} : memref<128xi32, #tpu.memory_space<vmem>>, vector<16xi32>,
    %get3A_318 = arith.constant 384 : index
    %get3A_319 = tpu.vector_load %arg6[%get3A_318] {strides = array<i32>} : memref<512xi32, #tpu.memory_space<vmem>>, vector<16xi32>,
    %get3A_320 = arith.constant 384 : index
    %get3A_321 = tpu.vector_load %arg7[%get3A_320] {strides = array<i32>} : memref<512xi32, #tpu.memory_space<vmem>>, vector<16xi32>,
    %mul3A_322 = arith.constant 10000 : i32
    %mul3A_323 = vector.broadcast %mul3A_322 : i32 to vector<16xi32>
    %mul3A_324 = arith.muli %get3A_319, %mul3A_323 : vector<16xi32>
    %add3A_325 = arith.addi %mul3A_324, %get3A_321 : vector<16xi32>
    %shift_right_logical3A_326 = arith.constant 7 : i32
    %shift_right_logical3A_327 = vector.broadcast %shift_right_logical3A_326 : i32 to vector<16xi32>
    %shift_right_logical3A_328 = arith.shrui %add3A_325, %shift_right_logical3A_327 : vector<16xi32>
    %swap3A_329 = arith.constant 0 : index
    %swap3A_330 = tpu.vector_load %arg11[%swap3A_329] {strides = array<i32>} : memref<128xi32, #tpu.memory_space<vmem>>, vector<16xi32>,
    tpu.vector_store %arg11[%swap3A_329], %shift_right_logical3A_328 {strides = array<i32>} : memref<128xi32, #tpu.memory_space<vmem>>, vector<16xi32>,
    %get3A_331 = arith.constant 400 : index
    %get3A_332 = tpu.vector_load %arg6[%get3A_331] {strides = array<i32>} : memref<512xi32, #tpu.memory_space<vmem>>, vector<16xi32>,
    %get3A_333 = arith.constant 400 : index
    %get3A_334 = tpu.vector_load %arg7[%get3A_333] {strides = array<i32>} : memref<512xi32, #tpu.memory_space<vmem>>, vector<16xi32>,
    %mul3A_335 = arith.constant 10000 : i32
    %mul3A_336 = vector.broadcast %mul3A_335 : i32 to vector<16xi32>
    %mul3A_337 = arith.muli %get3A_332, %mul3A_336 : vector<16xi32>
    %add3A_338 = arith.addi %mul3A_337, %get3A_334 : vector<16xi32>
    %shift_right_logical3A_339 = arith.constant 7 : i32
    %shift_right_logical3A_340 = vector.broadcast %shift_right_logical3A_339 : i32 to vector<16xi32>
    %shift_right_logical3A_341 = arith.shrui %add3A_338, %shift_right_logical3A_340 : vector<16xi32>
    %swap3A_342 = arith.constant 16 : index
    %swap3A_343 = tpu.vector_load %arg11[%swap3A_342] {strides = array<i32>} : memref<128xi32, #tpu.memory_space<vmem>>, vector<16xi32>,
    tpu.vector_store %arg11[%swap3A_342], %shift_right_logical3A_341 {strides = array<i32>} : memref<128xi32, #tpu.memory_space<vmem>>, vector<16xi32>,
    %get3A_344 = arith.constant 416 : index
    %get3A_345 = tpu.vector_load %arg6[%get3A_344] {strides = array<i32>} : memref<512xi32, #tpu.memory_space<vmem>>, vector<16xi32>,
    %get3A_346 = arith.constant 416 : index
    %get3A_347 = tpu.vector_load %arg7[%get3A_346] {strides = array<i32>} : memref<512xi32, #tpu.memory_space<vmem>>, vector<16xi32>,
    %mul3A_348 = arith.constant 10000 : i32
    %mul3A_349 = vector.broadcast %mul3A_348 : i32 to vector<16xi32>
    %mul3A_350 = arith.muli %get3A_345, %mul3A_349 : vector<16xi32>
    %add3A_351 = arith.addi %mul3A_350, %get3A_347 : vector<16xi32>
    %shift_right_logical3A_352 = arith.constant 7 : i32
    %shift_right_logical3A_353 = vector.broadcast %shift_right_logical3A_352 : i32 to vector<16xi32>
    %shift_right_logical3A_354 = arith.shrui %add3A_351, %shift_right_logical3A_353 : vector<16xi32>
    %swap3A_355 = arith.constant 32 : index
    %swap3A_356 = tpu.vector_load %arg11[%swap3A_355] {strides = array<i32>} : memref<128xi32, #tpu.memory_space<vmem>>, vector<16xi32>,
    tpu.vector_store %arg11[%swap3A_355], %shift_right_logical3A_354 {strides = array<i32>} : memref<128xi32, #tpu.memory_space<vmem>>, vector<16xi32>,
    %get3A_357 = arith.constant 432 : index
    %get3A_358 = tpu.vector_load %arg6[%get3A_357] {strides = array<i32>} : memref<512xi32, #tpu.memory_space<vmem>>, vector<16xi32>,
    %get3A_359 = arith.constant 432 : index
    %get3A_360 = tpu.vector_load %arg7[%get3A_359] {strides = array<i32>} : memref<512xi32, #tpu.memory_space<vmem>>, vector<16xi32>,
    %mul3A_361 = arith.constant 10000 : i32
    %mul3A_362 = vector.broadcast %mul3A_361 : i32 to vector<16xi32>
    %mul3A_363 = arith.muli %get3A_358, %mul3A_362 : vector<16xi32>
    %add3A_364 = arith.addi %mul3A_363, %get3A_360 : vector<16xi32>
    %shift_right_logical3A_365 = arith.constant 7 : i32
    %shift_right_logical3A_366 = vector.broadcast %shift_right_logical3A_365 : i32 to vector<16xi32>
    %shift_right_logical3A_367 = arith.shrui %add3A_364, %shift_right_logical3A_366 : vector<16xi32>
    %swap3A_368 = arith.constant 48 : index
    %swap3A_369 = tpu.vector_load %arg11[%swap3A_368] {strides = array<i32>} : memref<128xi32, #tpu.memory_space<vmem>>, vector<16xi32>,
    tpu.vector_store %arg11[%swap3A_368], %shift_right_logical3A_367 {strides = array<i32>} : memref<128xi32, #tpu.memory_space<vmem>>, vector<16xi32>,
    %get3A_370 = arith.constant 448 : index
    %get3A_371 = tpu.vector_load %arg6[%get3A_370] {strides = array<i32>} : memref<512xi32, #tpu.memory_space<vmem>>, vector<16xi32>,
    %get3A_372 = arith.constant 448 : index
    %get3A_373 = tpu.vector_load %arg7[%get3A_372] {strides = array<i32>} : memref<512xi32, #tpu.memory_space<vmem>>, vector<16xi32>,
    %mul3A_374 = arith.constant 10000 : i32
    %mul3A_375 = vector.broadcast %mul3A_374 : i32 to vector<16xi32>
    %mul3A_376 = arith.muli %get3A_371, %mul3A_375 : vector<16xi32>
    %add3A_377 = arith.addi %mul3A_376, %get3A_373 : vector<16xi32>
    %shift_right_logical3A_378 = arith.constant 7 : i32
    %shift_right_logical3A_379 = vector.broadcast %shift_right_logical3A_378 : i32 to vector<16xi32>
    %shift_right_logical3A_380 = arith.shrui %add3A_377, %shift_right_logical3A_379 : vector<16xi32>
    %swap3A_381 = arith.constant 64 : index
    %swap3A_382 = tpu.vector_load %arg11[%swap3A_381] {strides = array<i32>} : memref<128xi32, #tpu.memory_space<vmem>>, vector<16xi32>,
    tpu.vector_store %arg11[%swap3A_381], %shift_right_logical3A_380 {strides = array<i32>} : memref<128xi32, #tpu.memory_space<vmem>>, vector<16xi32>,
    %get3A_383 = arith.constant 464 : index
    %get3A_384 = tpu.vector_load %arg6[%get3A_383] {strides = array<i32>} : memref<512xi32, #tpu.memory_space<vmem>>, vector<16xi32>,
    %get3A_385 = arith.constant 464 : index
    %get3A_386 = tpu.vector_load %arg7[%get3A_385] {strides = array<i32>} : memref<512xi32, #tpu.memory_space<vmem>>, vector<16xi32>,
    %mul3A_387 = arith.constant 10000 : i32
    %mul3A_388 = vector.broadcast %mul3A_387 : i32 to vector<16xi32>
    %mul3A_389 = arith.muli %get3A_384, %mul3A_388 : vector<16xi32>
    %add3A_390 = arith.addi %mul3A_389, %get3A_386 : vector<16xi32>
    %shift_right_logical3A_391 = arith.constant 7 : i32
    %shift_right_logical3A_392 = vector.broadcast %shift_right_logical3A_391 : i32 to vector<16xi32>
    %shift_right_logical3A_393 = arith.shrui %add3A_390, %shift_right_logical3A_392 : vector<16xi32>
    %swap3A_394 = arith.constant 80 : index
    %swap3A_395 = tpu.vector_load %arg11[%swap3A_394] {strides = array<i32>} : memref<128xi32, #tpu.memory_space<vmem>>, vector<16xi32>,
    tpu.vector_store %arg11[%swap3A_394], %shift_right_logical3A_393 {strides = array<i32>} : memref<128xi32, #tpu.memory_space<vmem>>, vector<16xi32>,
    %get3A_396 = arith.constant 480 : index
    %get3A_397 = tpu.vector_load %arg6[%get3A_396] {strides = array<i32>} : memref<512xi32, #tpu.memory_space<vmem>>, vector<16xi32>,
    %get3A_398 = arith.constant 480 : index
    %get3A_399 = tpu.vector_load %arg7[%get3A_398] {strides = array<i32>} : memref<512xi32, #tpu.memory_space<vmem>>, vector<16xi32>,
    %mul3A_400 = arith.constant 10000 : i32
    %mul3A_401 = vector.broadcast %mul3A_400 : i32 to vector<16xi32>
    %mul3A_402 = arith.muli %get3A_397, %mul3A_401 : vector<16xi32>
    %add3A_403 = arith.addi %mul3A_402, %get3A_399 : vector<16xi32>
    %shift_right_logical3A_404 = arith.constant 7 : i32
    %shift_right_logical3A_405 = vector.broadcast %shift_right_logical3A_404 : i32 to vector<16xi32>
    %shift_right_logical3A_406 = arith.shrui %add3A_403, %shift_right_logical3A_405 : vector<16xi32>
    %swap3A_407 = arith.constant 96 : index
    %swap3A_408 = tpu.vector_load %arg11[%swap3A_407] {strides = array<i32>} : memref<128xi32, #tpu.memory_space<vmem>>, vector<16xi32>,
    tpu.vector_store %arg11[%swap3A_407], %shift_right_logical3A_406 {strides = array<i32>} : memref<128xi32, #tpu.memory_space<vmem>>, vector<16xi32>,
    %get3A_409 = arith.constant 496 : index
    %get3A_410 = tpu.vector_load %arg6[%get3A_409] {strides = array<i32>} : memref<512xi32, #tpu.memory_space<vmem>>, vector<16xi32>,
    %get3A_411 = arith.constant 496 : index
    %get3A_412 = tpu.vector_load %arg7[%get3A_411] {strides = array<i32>} : memref<512xi32, #tpu.memory_space<vmem>>, vector<16xi32>,
    %mul3A_413 = arith.constant 10000 : i32
    %mul3A_414 = vector.broadcast %mul3A_413 : i32 to vector<16xi32>
    %mul3A_415 = arith.muli %get3A_410, %mul3A_414 : vector<16xi32>
    %add3A_416 = arith.addi %mul3A_415, %get3A_412 : vector<16xi32>
    %shift_right_logical3A_417 = arith.constant 7 : i32
    %shift_right_logical3A_418 = vector.broadcast %shift_right_logical3A_417 : i32 to vector<16xi32>
    %shift_right_logical3A_419 = arith.shrui %add3A_416, %shift_right_logical3A_418 : vector<16xi32>
    %swap3A_420 = arith.constant 112 : index
    %swap3A_421 = tpu.vector_load %arg11[%swap3A_420] {strides = array<i32>} : memref<128xi32, #tpu.memory_space<vmem>>, vector<16xi32>,
    tpu.vector_store %arg11[%swap3A_420], %shift_right_logical3A_419 {strides = array<i32>} : memref<128xi32, #tpu.memory_space<vmem>>, vector<16xi32>,
    %dma_start3A_422 = arith.constant 0 : i32
    %dma_start3A_423 = arith.constant 0 : i32
    %dma_start3A_424 = tpu.memref_slice %arg12[%dma_start3A_422, %dma_start3A_423] : memref<512x128xf32, #tpu.memory_space<vmem>> -> memref<128x128xf32, #tpu.memory_space<vmem>>
    %dma_start3A_425 = arith.constant 0 : i32
    %dma_start3A_426 = arith.constant 0 : i32
    %dma_start3A_427 = tpu.memref_slice %arg4[%dma_start3A_425, %dma_start3A_426] : memref<781250x128xf32, #tpu.memory_space<hbm>> -> memref<781250x128xf32, #tpu.memory_space<hbm>>
    tpu.enqueue_indirect_dma source(%dma_start3A_427 : memref<781250x128xf32, #tpu.memory_space<hbm>>) target(%dma_start3A_424 : memref<128x128xf32, #tpu.memory_space<vmem>>) offsets(%arg8 : memref<128xi32, #tpu.memory_space<vmem>>) semaphore(%arg14 : memref<!tpu.dma_semaphore, #tpu.memory_space<semaphore_mem>>)
    %dma_start3A_428 = arith.constant 128 : i32
    %dma_start3A_429 = arith.constant 0 : i32
    %dma_start3A_430 = tpu.memref_slice %arg12[%dma_start3A_428, %dma_start3A_429] : memref<512x128xf32, #tpu.memory_space<vmem>> -> memref<128x128xf32, #tpu.memory_space<vmem>>
    %dma_start3A_431 = arith.constant 0 : i32
    %dma_start3A_432 = arith.constant 0 : i32
    %dma_start3A_433 = tpu.memref_slice %arg4[%dma_start3A_431, %dma_start3A_432] : memref<781250x128xf32, #tpu.memory_space<hbm>> -> memref<781250x128xf32, #tpu.memory_space<hbm>>
    tpu.enqueue_indirect_dma source(%dma_start3A_433 : memref<781250x128xf32, #tpu.memory_space<hbm>>) target(%dma_start3A_430 : memref<128x128xf32, #tpu.memory_space<vmem>>) offsets(%arg9 : memref<128xi32, #tpu.memory_space<vmem>>) semaphore(%arg14 : memref<!tpu.dma_semaphore, #tpu.memory_space<semaphore_mem>>)
    %dma_start3A_434 = arith.constant 256 : i32
    %dma_start3A_435 = arith.constant 0 : i32
    %dma_start3A_436 = tpu.memref_slice %arg12[%dma_start3A_434, %dma_start3A_435] : memref<512x128xf32, #tpu.memory_space<vmem>> -> memref<128x128xf32, #tpu.memory_space<vmem>>
    %dma_start3A_437 = arith.constant 0 : i32
    %dma_start3A_438 = arith.constant 0 : i32
    %dma_start3A_439 = tpu.memref_slice %arg4[%dma_start3A_437, %dma_start3A_438] : memref<781250x128xf32, #tpu.memory_space<hbm>> -> memref<781250x128xf32, #tpu.memory_space<hbm>>
    tpu.enqueue_indirect_dma source(%dma_start3A_439 : memref<781250x128xf32, #tpu.memory_space<hbm>>) target(%dma_start3A_436 : memref<128x128xf32, #tpu.memory_space<vmem>>) offsets(%arg10 : memref<128xi32, #tpu.memory_space<vmem>>) semaphore(%arg14 : memref<!tpu.dma_semaphore, #tpu.memory_space<semaphore_mem>>)
    %dma_start3A_440 = arith.constant 384 : i32
    %dma_start3A_441 = arith.constant 0 : i32
    %dma_start3A_442 = tpu.memref_slice %arg12[%dma_start3A_440, %dma_start3A_441] : memref<512x128xf32, #tpu.memory_space<vmem>> -> memref<128x128xf32, #tpu.memory_space<vmem>>
    %dma_start3A_443 = arith.constant 0 : i32
    %dma_start3A_444 = arith.constant 0 : i32
    %dma_start3A_445 = tpu.memref_slice %arg4[%dma_start3A_443, %dma_start3A_444] : memref<781250x128xf32, #tpu.memory_space<hbm>> -> memref<781250x128xf32, #tpu.memory_space<hbm>>
    tpu.enqueue_indirect_dma source(%dma_start3A_445 : memref<781250x128xf32, #tpu.memory_space<hbm>>) target(%dma_start3A_442 : memref<128x128xf32, #tpu.memory_space<vmem>>) offsets(%arg11 : memref<128xi32, #tpu.memory_space<vmem>>) semaphore(%arg14 : memref<!tpu.dma_semaphore, #tpu.memory_space<semaphore_mem>>)
    %dma_wait3A_446 = arith.constant 0 : i32
    %dma_wait3A_447 = arith.constant 0 : i32
    %dma_wait3A_448 = tpu.memref_slice %arg12[%dma_wait3A_446, %dma_wait3A_447] : memref<512x128xf32, #tpu.memory_space<vmem>> -> memref<128x128xf32, #tpu.memory_space<vmem>>
    %dma_wait3A_449 = arith.constant 0 : i32
    %dma_wait3A_450 = arith.constant 0 : i32
    %dma_wait3A_451 = tpu.memref_slice %arg4[%dma_wait3A_449, %dma_wait3A_450] : memref<781250x128xf32, #tpu.memory_space<hbm>> -> memref<781250x128xf32, #tpu.memory_space<hbm>>
    tpu.wait_indirect_dma semaphore(%arg14 : memref<!tpu.dma_semaphore, #tpu.memory_space<semaphore_mem>>) src(%dma_wait3A_451 : memref<781250x128xf32, #tpu.memory_space<hbm>>) dst(%dma_wait3A_448 : memref<128x128xf32, #tpu.memory_space<vmem>>)
    %dma_wait3A_452 = arith.constant 128 : i32
    %dma_wait3A_453 = arith.constant 0 : i32
    %dma_wait3A_454 = tpu.memref_slice %arg12[%dma_wait3A_452, %dma_wait3A_453] : memref<512x128xf32, #tpu.memory_space<vmem>> -> memref<128x128xf32, #tpu.memory_space<vmem>>
    %dma_wait3A_455 = arith.constant 0 : i32
    %dma_wait3A_456 = arith.constant 0 : i32
    %dma_wait3A_457 = tpu.memref_slice %arg4[%dma_wait3A_455, %dma_wait3A_456] : memref<781250x128xf32, #tpu.memory_space<hbm>> -> memref<781250x128xf32, #tpu.memory_space<hbm>>
    tpu.wait_indirect_dma semaphore(%arg14 : memref<!tpu.dma_semaphore, #tpu.memory_space<semaphore_mem>>) src(%dma_wait3A_457 : memref<781250x128xf32, #tpu.memory_space<hbm>>) dst(%dma_wait3A_454 : memref<128x128xf32, #tpu.memory_space<vmem>>)
    %dma_wait3A_458 = arith.constant 256 : i32
    %dma_wait3A_459 = arith.constant 0 : i32
    %dma_wait3A_460 = tpu.memref_slice %arg12[%dma_wait3A_458, %dma_wait3A_459] : memref<512x128xf32, #tpu.memory_space<vmem>> -> memref<128x128xf32, #tpu.memory_space<vmem>>
    %dma_wait3A_461 = arith.constant 0 : i32
    %dma_wait3A_462 = arith.constant 0 : i32
    %dma_wait3A_463 = tpu.memref_slice %arg4[%dma_wait3A_461, %dma_wait3A_462] : memref<781250x128xf32, #tpu.memory_space<hbm>> -> memref<781250x128xf32, #tpu.memory_space<hbm>>
    tpu.wait_indirect_dma semaphore(%arg14 : memref<!tpu.dma_semaphore, #tpu.memory_space<semaphore_mem>>) src(%dma_wait3A_463 : memref<781250x128xf32, #tpu.memory_space<hbm>>) dst(%dma_wait3A_460 : memref<128x128xf32, #tpu.memory_space<vmem>>)
    %dma_wait3A_464 = arith.constant 384 : i32
    %dma_wait3A_465 = arith.constant 0 : i32
    %dma_wait3A_466 = tpu.memref_slice %arg12[%dma_wait3A_464, %dma_wait3A_465] : memref<512x128xf32, #tpu.memory_space<vmem>> -> memref<128x128xf32, #tpu.memory_space<vmem>>
    %dma_wait3A_467 = arith.constant 0 : i32
    %dma_wait3A_468 = arith.constant 0 : i32
    %dma_wait3A_469 = tpu.memref_slice %arg4[%dma_wait3A_467, %dma_wait3A_468] : memref<781250x128xf32, #tpu.memory_space<hbm>> -> memref<781250x128xf32, #tpu.memory_space<hbm>>
    tpu.wait_indirect_dma semaphore(%arg14 : memref<!tpu.dma_semaphore, #tpu.memory_space<semaphore_mem>>) src(%dma_wait3A_469 : memref<781250x128xf32, #tpu.memory_space<hbm>>) dst(%dma_wait3A_466 : memref<128x128xf32, #tpu.memory_space<vmem>>)
    %iota3A = tpu.iota {dimensions = array<i32: 0>} : vector<16xi32>
    %get3A_470 = arith.constant 0 : index
    %get3A_471 = tpu.vector_load %arg6[%get3A_470] {strides = array<i32>} : memref<512xi32, #tpu.memory_space<vmem>>, vector<16xi32>,
    %get3A_472 = arith.constant 0 : index
    %get3A_473 = tpu.vector_load %arg7[%get3A_472] {strides = array<i32>} : memref<512xi32, #tpu.memory_space<vmem>>, vector<16xi32>,
    %mul3A_474 = arith.constant 10000 : i32
    %mul3A_475 = vector.broadcast %mul3A_474 : i32 to vector<16xi32>
    %mul3A_476 = arith.muli %get3A_471, %mul3A_475 : vector<16xi32>
    %add3A_477 = arith.addi %mul3A_476, %get3A_473 : vector<16xi32>
    %and3A = arith.constant 127 : i32
    %and3A_478 = vector.broadcast %and3A : i32 to vector<16xi32>
    %and3A_479 = arith.andi %add3A_477, %and3A_478 : vector<16xi32>
    %add3A_480 = arith.constant 0 : i32
    %add3A_481 = vector.broadcast %add3A_480 : i32 to vector<16xi32>
    %add3A_482 = arith.addi %add3A_481, %iota3A : vector<16xi32>
    %gather3A = tpu.vector_load_idx %arg12[%add3A_482, %and3A_479] : memref<512x128xf32, #tpu.memory_space<vmem>>[vector<16xi32>, vector<16xi32>], vector<16xf32>,
    %neg3A = arith.constant 0.000000e+00 : f32
    %neg3A_483 = vector.broadcast %neg3A : f32 to vector<16xf32>
    %neg3A_484 = arith.subf %neg3A_483, %gather3A : vector<16xf32>
    %exp3A = math.exp %neg3A_484 : vector<16xf32>
    %add3A_485 = arith.constant 1.000000e+00 : f32
    %add3A_486 = vector.broadcast %add3A_485 : f32 to vector<16xf32>
    %add3A_487 = arith.addf %add3A_486, %exp3A : vector<16xf32>
    %div3A = arith.constant 1.000000e+00 : f32
    %div3A_488 = vector.broadcast %div3A : f32 to vector<16xf32>
    %div3A_489 = arith.divf %div3A_488, %add3A_487 : vector<16xf32>
    %swap3A_490 = arith.constant 0 : index
    %swap3A_491 = tpu.vector_load %arg13[%swap3A_490] {strides = array<i32>} : memref<512xf32, #tpu.memory_space<vmem>>, vector<16xf32>,
    tpu.vector_store %arg13[%swap3A_490], %div3A_489 {strides = array<i32>} : memref<512xf32, #tpu.memory_space<vmem>>, vector<16xf32>,
    %get3A_492 = arith.constant 16 : index
    %get3A_493 = tpu.vector_load %arg6[%get3A_492] {strides = array<i32>} : memref<512xi32, #tpu.memory_space<vmem>>, vector<16xi32>,
    %get3A_494 = arith.constant 16 : index
    %get3A_495 = tpu.vector_load %arg7[%get3A_494] {strides = array<i32>} : memref<512xi32, #tpu.memory_space<vmem>>, vector<16xi32>,
    %mul3A_496 = arith.constant 10000 : i32
    %mul3A_497 = vector.broadcast %mul3A_496 : i32 to vector<16xi32>
    %mul3A_498 = arith.muli %get3A_493, %mul3A_497 : vector<16xi32>
    %add3A_499 = arith.addi %mul3A_498, %get3A_495 : vector<16xi32>
    %and3A_500 = arith.constant 127 : i32
    %and3A_501 = vector.broadcast %and3A_500 : i32 to vector<16xi32>
    %and3A_502 = arith.andi %add3A_499, %and3A_501 : vector<16xi32>
    %add3A_503 = arith.constant 16 : i32
    %add3A_504 = vector.broadcast %add3A_503 : i32 to vector<16xi32>
    %add3A_505 = arith.addi %add3A_504, %iota3A : vector<16xi32>
    %gather3A_506 = tpu.vector_load_idx %arg12[%add3A_505, %and3A_502] : memref<512x128xf32, #tpu.memory_space<vmem>>[vector<16xi32>, vector<16xi32>], vector<16xf32>,
    %neg3A_507 = arith.constant 0.000000e+00 : f32
    %neg3A_508 = vector.broadcast %neg3A_507 : f32 to vector<16xf32>
    %neg3A_509 = arith.subf %neg3A_508, %gather3A_506 : vector<16xf32>
    %exp3A_510 = math.exp %neg3A_509 : vector<16xf32>
    %add3A_511 = arith.constant 1.000000e+00 : f32
    %add3A_512 = vector.broadcast %add3A_511 : f32 to vector<16xf32>
    %add3A_513 = arith.addf %add3A_512, %exp3A_510 : vector<16xf32>
    %div3A_514 = arith.constant 1.000000e+00 : f32
    %div3A_515 = vector.broadcast %div3A_514 : f32 to vector<16xf32>
    %div3A_516 = arith.divf %div3A_515, %add3A_513 : vector<16xf32>
    %swap3A_517 = arith.constant 16 : index
    %swap3A_518 = tpu.vector_load %arg13[%swap3A_517] {strides = array<i32>} : memref<512xf32, #tpu.memory_space<vmem>>, vector<16xf32>,
    tpu.vector_store %arg13[%swap3A_517], %div3A_516 {strides = array<i32>} : memref<512xf32, #tpu.memory_space<vmem>>, vector<16xf32>,
    %get3A_519 = arith.constant 32 : index
    %get3A_520 = tpu.vector_load %arg6[%get3A_519] {strides = array<i32>} : memref<512xi32, #tpu.memory_space<vmem>>, vector<16xi32>,
    %get3A_521 = arith.constant 32 : index
    %get3A_522 = tpu.vector_load %arg7[%get3A_521] {strides = array<i32>} : memref<512xi32, #tpu.memory_space<vmem>>, vector<16xi32>,
    %mul3A_523 = arith.constant 10000 : i32
    %mul3A_524 = vector.broadcast %mul3A_523 : i32 to vector<16xi32>
    %mul3A_525 = arith.muli %get3A_520, %mul3A_524 : vector<16xi32>
    %add3A_526 = arith.addi %mul3A_525, %get3A_522 : vector<16xi32>
    %and3A_527 = arith.constant 127 : i32
    %and3A_528 = vector.broadcast %and3A_527 : i32 to vector<16xi32>
    %and3A_529 = arith.andi %add3A_526, %and3A_528 : vector<16xi32>
    %add3A_530 = arith.constant 32 : i32
    %add3A_531 = vector.broadcast %add3A_530 : i32 to vector<16xi32>
    %add3A_532 = arith.addi %add3A_531, %iota3A : vector<16xi32>
    %gather3A_533 = tpu.vector_load_idx %arg12[%add3A_532, %and3A_529] : memref<512x128xf32, #tpu.memory_space<vmem>>[vector<16xi32>, vector<16xi32>], vector<16xf32>,
    %neg3A_534 = arith.constant 0.000000e+00 : f32
    %neg3A_535 = vector.broadcast %neg3A_534 : f32 to vector<16xf32>
    %neg3A_536 = arith.subf %neg3A_535, %gather3A_533 : vector<16xf32>
    %exp3A_537 = math.exp %neg3A_536 : vector<16xf32>
    %add3A_538 = arith.constant 1.000000e+00 : f32
    %add3A_539 = vector.broadcast %add3A_538 : f32 to vector<16xf32>
    %add3A_540 = arith.addf %add3A_539, %exp3A_537 : vector<16xf32>
    %div3A_541 = arith.constant 1.000000e+00 : f32
    %div3A_542 = vector.broadcast %div3A_541 : f32 to vector<16xf32>
    %div3A_543 = arith.divf %div3A_542, %add3A_540 : vector<16xf32>
    %swap3A_544 = arith.constant 32 : index
    %swap3A_545 = tpu.vector_load %arg13[%swap3A_544] {strides = array<i32>} : memref<512xf32, #tpu.memory_space<vmem>>, vector<16xf32>,
    tpu.vector_store %arg13[%swap3A_544], %div3A_543 {strides = array<i32>} : memref<512xf32, #tpu.memory_space<vmem>>, vector<16xf32>,
    %get3A_546 = arith.constant 48 : index
    %get3A_547 = tpu.vector_load %arg6[%get3A_546] {strides = array<i32>} : memref<512xi32, #tpu.memory_space<vmem>>, vector<16xi32>,
    %get3A_548 = arith.constant 48 : index
    %get3A_549 = tpu.vector_load %arg7[%get3A_548] {strides = array<i32>} : memref<512xi32, #tpu.memory_space<vmem>>, vector<16xi32>,
    %mul3A_550 = arith.constant 10000 : i32
    %mul3A_551 = vector.broadcast %mul3A_550 : i32 to vector<16xi32>
    %mul3A_552 = arith.muli %get3A_547, %mul3A_551 : vector<16xi32>
    %add3A_553 = arith.addi %mul3A_552, %get3A_549 : vector<16xi32>
    %and3A_554 = arith.constant 127 : i32
    %and3A_555 = vector.broadcast %and3A_554 : i32 to vector<16xi32>
    %and3A_556 = arith.andi %add3A_553, %and3A_555 : vector<16xi32>
    %add3A_557 = arith.constant 48 : i32
    %add3A_558 = vector.broadcast %add3A_557 : i32 to vector<16xi32>
    %add3A_559 = arith.addi %add3A_558, %iota3A : vector<16xi32>
    %gather3A_560 = tpu.vector_load_idx %arg12[%add3A_559, %and3A_556] : memref<512x128xf32, #tpu.memory_space<vmem>>[vector<16xi32>, vector<16xi32>], vector<16xf32>,
    %neg3A_561 = arith.constant 0.000000e+00 : f32
    %neg3A_562 = vector.broadcast %neg3A_561 : f32 to vector<16xf32>
    %neg3A_563 = arith.subf %neg3A_562, %gather3A_560 : vector<16xf32>
    %exp3A_564 = math.exp %neg3A_563 : vector<16xf32>
    %add3A_565 = arith.constant 1.000000e+00 : f32
    %add3A_566 = vector.broadcast %add3A_565 : f32 to vector<16xf32>
    %add3A_567 = arith.addf %add3A_566, %exp3A_564 : vector<16xf32>
    %div3A_568 = arith.constant 1.000000e+00 : f32
    %div3A_569 = vector.broadcast %div3A_568 : f32 to vector<16xf32>
    %div3A_570 = arith.divf %div3A_569, %add3A_567 : vector<16xf32>
    %swap3A_571 = arith.constant 48 : index
    %swap3A_572 = tpu.vector_load %arg13[%swap3A_571] {strides = array<i32>} : memref<512xf32, #tpu.memory_space<vmem>>, vector<16xf32>,
    tpu.vector_store %arg13[%swap3A_571], %div3A_570 {strides = array<i32>} : memref<512xf32, #tpu.memory_space<vmem>>, vector<16xf32>,
    %get3A_573 = arith.constant 64 : index
    %get3A_574 = tpu.vector_load %arg6[%get3A_573] {strides = array<i32>} : memref<512xi32, #tpu.memory_space<vmem>>, vector<16xi32>,
    %get3A_575 = arith.constant 64 : index
    %get3A_576 = tpu.vector_load %arg7[%get3A_575] {strides = array<i32>} : memref<512xi32, #tpu.memory_space<vmem>>, vector<16xi32>,
    %mul3A_577 = arith.constant 10000 : i32
    %mul3A_578 = vector.broadcast %mul3A_577 : i32 to vector<16xi32>
    %mul3A_579 = arith.muli %get3A_574, %mul3A_578 : vector<16xi32>
    %add3A_580 = arith.addi %mul3A_579, %get3A_576 : vector<16xi32>
    %and3A_581 = arith.constant 127 : i32
    %and3A_582 = vector.broadcast %and3A_581 : i32 to vector<16xi32>
    %and3A_583 = arith.andi %add3A_580, %and3A_582 : vector<16xi32>
    %add3A_584 = arith.constant 64 : i32
    %add3A_585 = vector.broadcast %add3A_584 : i32 to vector<16xi32>
    %add3A_586 = arith.addi %add3A_585, %iota3A : vector<16xi32>
    %gather3A_587 = tpu.vector_load_idx %arg12[%add3A_586, %and3A_583] : memref<512x128xf32, #tpu.memory_space<vmem>>[vector<16xi32>, vector<16xi32>], vector<16xf32>,
    %neg3A_588 = arith.constant 0.000000e+00 : f32
    %neg3A_589 = vector.broadcast %neg3A_588 : f32 to vector<16xf32>
    %neg3A_590 = arith.subf %neg3A_589, %gather3A_587 : vector<16xf32>
    %exp3A_591 = math.exp %neg3A_590 : vector<16xf32>
    %add3A_592 = arith.constant 1.000000e+00 : f32
    %add3A_593 = vector.broadcast %add3A_592 : f32 to vector<16xf32>
    %add3A_594 = arith.addf %add3A_593, %exp3A_591 : vector<16xf32>
    %div3A_595 = arith.constant 1.000000e+00 : f32
    %div3A_596 = vector.broadcast %div3A_595 : f32 to vector<16xf32>
    %div3A_597 = arith.divf %div3A_596, %add3A_594 : vector<16xf32>
    %swap3A_598 = arith.constant 64 : index
    %swap3A_599 = tpu.vector_load %arg13[%swap3A_598] {strides = array<i32>} : memref<512xf32, #tpu.memory_space<vmem>>, vector<16xf32>,
    tpu.vector_store %arg13[%swap3A_598], %div3A_597 {strides = array<i32>} : memref<512xf32, #tpu.memory_space<vmem>>, vector<16xf32>,
    %get3A_600 = arith.constant 80 : index
    %get3A_601 = tpu.vector_load %arg6[%get3A_600] {strides = array<i32>} : memref<512xi32, #tpu.memory_space<vmem>>, vector<16xi32>,
    %get3A_602 = arith.constant 80 : index
    %get3A_603 = tpu.vector_load %arg7[%get3A_602] {strides = array<i32>} : memref<512xi32, #tpu.memory_space<vmem>>, vector<16xi32>,
    %mul3A_604 = arith.constant 10000 : i32
    %mul3A_605 = vector.broadcast %mul3A_604 : i32 to vector<16xi32>
    %mul3A_606 = arith.muli %get3A_601, %mul3A_605 : vector<16xi32>
    %add3A_607 = arith.addi %mul3A_606, %get3A_603 : vector<16xi32>
    %and3A_608 = arith.constant 127 : i32
    %and3A_609 = vector.broadcast %and3A_608 : i32 to vector<16xi32>
    %and3A_610 = arith.andi %add3A_607, %and3A_609 : vector<16xi32>
    %add3A_611 = arith.constant 80 : i32
    %add3A_612 = vector.broadcast %add3A_611 : i32 to vector<16xi32>
    %add3A_613 = arith.addi %add3A_612, %iota3A : vector<16xi32>
    %gather3A_614 = tpu.vector_load_idx %arg12[%add3A_613, %and3A_610] : memref<512x128xf32, #tpu.memory_space<vmem>>[vector<16xi32>, vector<16xi32>], vector<16xf32>,
    %neg3A_615 = arith.constant 0.000000e+00 : f32
    %neg3A_616 = vector.broadcast %neg3A_615 : f32 to vector<16xf32>
    %neg3A_617 = arith.subf %neg3A_616, %gather3A_614 : vector<16xf32>
    %exp3A_618 = math.exp %neg3A_617 : vector<16xf32>
    %add3A_619 = arith.constant 1.000000e+00 : f32
    %add3A_620 = vector.broadcast %add3A_619 : f32 to vector<16xf32>
    %add3A_621 = arith.addf %add3A_620, %exp3A_618 : vector<16xf32>
    %div3A_622 = arith.constant 1.000000e+00 : f32
    %div3A_623 = vector.broadcast %div3A_622 : f32 to vector<16xf32>
    %div3A_624 = arith.divf %div3A_623, %add3A_621 : vector<16xf32>
    %swap3A_625 = arith.constant 80 : index
    %swap3A_626 = tpu.vector_load %arg13[%swap3A_625] {strides = array<i32>} : memref<512xf32, #tpu.memory_space<vmem>>, vector<16xf32>,
    tpu.vector_store %arg13[%swap3A_625], %div3A_624 {strides = array<i32>} : memref<512xf32, #tpu.memory_space<vmem>>, vector<16xf32>,
    %get3A_627 = arith.constant 96 : index
    %get3A_628 = tpu.vector_load %arg6[%get3A_627] {strides = array<i32>} : memref<512xi32, #tpu.memory_space<vmem>>, vector<16xi32>,
    %get3A_629 = arith.constant 96 : index
    %get3A_630 = tpu.vector_load %arg7[%get3A_629] {strides = array<i32>} : memref<512xi32, #tpu.memory_space<vmem>>, vector<16xi32>,
    %mul3A_631 = arith.constant 10000 : i32
    %mul3A_632 = vector.broadcast %mul3A_631 : i32 to vector<16xi32>
    %mul3A_633 = arith.muli %get3A_628, %mul3A_632 : vector<16xi32>
    %add3A_634 = arith.addi %mul3A_633, %get3A_630 : vector<16xi32>
    %and3A_635 = arith.constant 127 : i32
    %and3A_636 = vector.broadcast %and3A_635 : i32 to vector<16xi32>
    %and3A_637 = arith.andi %add3A_634, %and3A_636 : vector<16xi32>
    %add3A_638 = arith.constant 96 : i32
    %add3A_639 = vector.broadcast %add3A_638 : i32 to vector<16xi32>
    %add3A_640 = arith.addi %add3A_639, %iota3A : vector<16xi32>
    %gather3A_641 = tpu.vector_load_idx %arg12[%add3A_640, %and3A_637] : memref<512x128xf32, #tpu.memory_space<vmem>>[vector<16xi32>, vector<16xi32>], vector<16xf32>,
    %neg3A_642 = arith.constant 0.000000e+00 : f32
    %neg3A_643 = vector.broadcast %neg3A_642 : f32 to vector<16xf32>
    %neg3A_644 = arith.subf %neg3A_643, %gather3A_641 : vector<16xf32>
    %exp3A_645 = math.exp %neg3A_644 : vector<16xf32>
    %add3A_646 = arith.constant 1.000000e+00 : f32
    %add3A_647 = vector.broadcast %add3A_646 : f32 to vector<16xf32>
    %add3A_648 = arith.addf %add3A_647, %exp3A_645 : vector<16xf32>
    %div3A_649 = arith.constant 1.000000e+00 : f32
    %div3A_650 = vector.broadcast %div3A_649 : f32 to vector<16xf32>
    %div3A_651 = arith.divf %div3A_650, %add3A_648 : vector<16xf32>
    %swap3A_652 = arith.constant 96 : index
    %swap3A_653 = tpu.vector_load %arg13[%swap3A_652] {strides = array<i32>} : memref<512xf32, #tpu.memory_space<vmem>>, vector<16xf32>,
    tpu.vector_store %arg13[%swap3A_652], %div3A_651 {strides = array<i32>} : memref<512xf32, #tpu.memory_space<vmem>>, vector<16xf32>,
    %get3A_654 = arith.constant 112 : index
    %get3A_655 = tpu.vector_load %arg6[%get3A_654] {strides = array<i32>} : memref<512xi32, #tpu.memory_space<vmem>>, vector<16xi32>,
    %get3A_656 = arith.constant 112 : index
    %get3A_657 = tpu.vector_load %arg7[%get3A_656] {strides = array<i32>} : memref<512xi32, #tpu.memory_space<vmem>>, vector<16xi32>,
    %mul3A_658 = arith.constant 10000 : i32
    %mul3A_659 = vector.broadcast %mul3A_658 : i32 to vector<16xi32>
    %mul3A_660 = arith.muli %get3A_655, %mul3A_659 : vector<16xi32>
    %add3A_661 = arith.addi %mul3A_660, %get3A_657 : vector<16xi32>
    %and3A_662 = arith.constant 127 : i32
    %and3A_663 = vector.broadcast %and3A_662 : i32 to vector<16xi32>
    %and3A_664 = arith.andi %add3A_661, %and3A_663 : vector<16xi32>
    %add3A_665 = arith.constant 112 : i32
    %add3A_666 = vector.broadcast %add3A_665 : i32 to vector<16xi32>
    %add3A_667 = arith.addi %add3A_666, %iota3A : vector<16xi32>
    %gather3A_668 = tpu.vector_load_idx %arg12[%add3A_667, %and3A_664] : memref<512x128xf32, #tpu.memory_space<vmem>>[vector<16xi32>, vector<16xi32>], vector<16xf32>,
    %neg3A_669 = arith.constant 0.000000e+00 : f32
    %neg3A_670 = vector.broadcast %neg3A_669 : f32 to vector<16xf32>
    %neg3A_671 = arith.subf %neg3A_670, %gather3A_668 : vector<16xf32>
    %exp3A_672 = math.exp %neg3A_671 : vector<16xf32>
    %add3A_673 = arith.constant 1.000000e+00 : f32
    %add3A_674 = vector.broadcast %add3A_673 : f32 to vector<16xf32>
    %add3A_675 = arith.addf %add3A_674, %exp3A_672 : vector<16xf32>
    %div3A_676 = arith.constant 1.000000e+00 : f32
    %div3A_677 = vector.broadcast %div3A_676 : f32 to vector<16xf32>
    %div3A_678 = arith.divf %div3A_677, %add3A_675 : vector<16xf32>
    %swap3A_679 = arith.constant 112 : index
    %swap3A_680 = tpu.vector_load %arg13[%swap3A_679] {strides = array<i32>} : memref<512xf32, #tpu.memory_space<vmem>>, vector<16xf32>,
    tpu.vector_store %arg13[%swap3A_679], %div3A_678 {strides = array<i32>} : memref<512xf32, #tpu.memory_space<vmem>>, vector<16xf32>,
    %get3A_681 = arith.constant 128 : index
    %get3A_682 = tpu.vector_load %arg6[%get3A_681] {strides = array<i32>} : memref<512xi32, #tpu.memory_space<vmem>>, vector<16xi32>,
    %get3A_683 = arith.constant 128 : index
    %get3A_684 = tpu.vector_load %arg7[%get3A_683] {strides = array<i32>} : memref<512xi32, #tpu.memory_space<vmem>>, vector<16xi32>,
    %mul3A_685 = arith.constant 10000 : i32
    %mul3A_686 = vector.broadcast %mul3A_685 : i32 to vector<16xi32>
    %mul3A_687 = arith.muli %get3A_682, %mul3A_686 : vector<16xi32>
    %add3A_688 = arith.addi %mul3A_687, %get3A_684 : vector<16xi32>
    %and3A_689 = arith.constant 127 : i32
    %and3A_690 = vector.broadcast %and3A_689 : i32 to vector<16xi32>
    %and3A_691 = arith.andi %add3A_688, %and3A_690 : vector<16xi32>
    %add3A_692 = arith.constant 128 : i32
    %add3A_693 = vector.broadcast %add3A_692 : i32 to vector<16xi32>
    %add3A_694 = arith.addi %add3A_693, %iota3A : vector<16xi32>
    %gather3A_695 = tpu.vector_load_idx %arg12[%add3A_694, %and3A_691] : memref<512x128xf32, #tpu.memory_space<vmem>>[vector<16xi32>, vector<16xi32>], vector<16xf32>,
    %neg3A_696 = arith.constant 0.000000e+00 : f32
    %neg3A_697 = vector.broadcast %neg3A_696 : f32 to vector<16xf32>
    %neg3A_698 = arith.subf %neg3A_697, %gather3A_695 : vector<16xf32>
    %exp3A_699 = math.exp %neg3A_698 : vector<16xf32>
    %add3A_700 = arith.constant 1.000000e+00 : f32
    %add3A_701 = vector.broadcast %add3A_700 : f32 to vector<16xf32>
    %add3A_702 = arith.addf %add3A_701, %exp3A_699 : vector<16xf32>
    %div3A_703 = arith.constant 1.000000e+00 : f32
    %div3A_704 = vector.broadcast %div3A_703 : f32 to vector<16xf32>
    %div3A_705 = arith.divf %div3A_704, %add3A_702 : vector<16xf32>
    %swap3A_706 = arith.constant 128 : index
    %swap3A_707 = tpu.vector_load %arg13[%swap3A_706] {strides = array<i32>} : memref<512xf32, #tpu.memory_space<vmem>>, vector<16xf32>,
    tpu.vector_store %arg13[%swap3A_706], %div3A_705 {strides = array<i32>} : memref<512xf32, #tpu.memory_space<vmem>>, vector<16xf32>,
    %get3A_708 = arith.constant 144 : index
    %get3A_709 = tpu.vector_load %arg6[%get3A_708] {strides = array<i32>} : memref<512xi32, #tpu.memory_space<vmem>>, vector<16xi32>,
    %get3A_710 = arith.constant 144 : index
    %get3A_711 = tpu.vector_load %arg7[%get3A_710] {strides = array<i32>} : memref<512xi32, #tpu.memory_space<vmem>>, vector<16xi32>,
    %mul3A_712 = arith.constant 10000 : i32
    %mul3A_713 = vector.broadcast %mul3A_712 : i32 to vector<16xi32>
    %mul3A_714 = arith.muli %get3A_709, %mul3A_713 : vector<16xi32>
    %add3A_715 = arith.addi %mul3A_714, %get3A_711 : vector<16xi32>
    %and3A_716 = arith.constant 127 : i32
    %and3A_717 = vector.broadcast %and3A_716 : i32 to vector<16xi32>
    %and3A_718 = arith.andi %add3A_715, %and3A_717 : vector<16xi32>
    %add3A_719 = arith.constant 144 : i32
    %add3A_720 = vector.broadcast %add3A_719 : i32 to vector<16xi32>
    %add3A_721 = arith.addi %add3A_720, %iota3A : vector<16xi32>
    %gather3A_722 = tpu.vector_load_idx %arg12[%add3A_721, %and3A_718] : memref<512x128xf32, #tpu.memory_space<vmem>>[vector<16xi32>, vector<16xi32>], vector<16xf32>,
    %neg3A_723 = arith.constant 0.000000e+00 : f32
    %neg3A_724 = vector.broadcast %neg3A_723 : f32 to vector<16xf32>
    %neg3A_725 = arith.subf %neg3A_724, %gather3A_722 : vector<16xf32>
    %exp3A_726 = math.exp %neg3A_725 : vector<16xf32>
    %add3A_727 = arith.constant 1.000000e+00 : f32
    %add3A_728 = vector.broadcast %add3A_727 : f32 to vector<16xf32>
    %add3A_729 = arith.addf %add3A_728, %exp3A_726 : vector<16xf32>
    %div3A_730 = arith.constant 1.000000e+00 : f32
    %div3A_731 = vector.broadcast %div3A_730 : f32 to vector<16xf32>
    %div3A_732 = arith.divf %div3A_731, %add3A_729 : vector<16xf32>
    %swap3A_733 = arith.constant 144 : index
    %swap3A_734 = tpu.vector_load %arg13[%swap3A_733] {strides = array<i32>} : memref<512xf32, #tpu.memory_space<vmem>>, vector<16xf32>,
    tpu.vector_store %arg13[%swap3A_733], %div3A_732 {strides = array<i32>} : memref<512xf32, #tpu.memory_space<vmem>>, vector<16xf32>,
    %get3A_735 = arith.constant 160 : index
    %get3A_736 = tpu.vector_load %arg6[%get3A_735] {strides = array<i32>} : memref<512xi32, #tpu.memory_space<vmem>>, vector<16xi32>,
    %get3A_737 = arith.constant 160 : index
    %get3A_738 = tpu.vector_load %arg7[%get3A_737] {strides = array<i32>} : memref<512xi32, #tpu.memory_space<vmem>>, vector<16xi32>,
    %mul3A_739 = arith.constant 10000 : i32
    %mul3A_740 = vector.broadcast %mul3A_739 : i32 to vector<16xi32>
    %mul3A_741 = arith.muli %get3A_736, %mul3A_740 : vector<16xi32>
    %add3A_742 = arith.addi %mul3A_741, %get3A_738 : vector<16xi32>
    %and3A_743 = arith.constant 127 : i32
    %and3A_744 = vector.broadcast %and3A_743 : i32 to vector<16xi32>
    %and3A_745 = arith.andi %add3A_742, %and3A_744 : vector<16xi32>
    %add3A_746 = arith.constant 160 : i32
    %add3A_747 = vector.broadcast %add3A_746 : i32 to vector<16xi32>
    %add3A_748 = arith.addi %add3A_747, %iota3A : vector<16xi32>
    %gather3A_749 = tpu.vector_load_idx %arg12[%add3A_748, %and3A_745] : memref<512x128xf32, #tpu.memory_space<vmem>>[vector<16xi32>, vector<16xi32>], vector<16xf32>,
    %neg3A_750 = arith.constant 0.000000e+00 : f32
    %neg3A_751 = vector.broadcast %neg3A_750 : f32 to vector<16xf32>
    %neg3A_752 = arith.subf %neg3A_751, %gather3A_749 : vector<16xf32>
    %exp3A_753 = math.exp %neg3A_752 : vector<16xf32>
    %add3A_754 = arith.constant 1.000000e+00 : f32
    %add3A_755 = vector.broadcast %add3A_754 : f32 to vector<16xf32>
    %add3A_756 = arith.addf %add3A_755, %exp3A_753 : vector<16xf32>
    %div3A_757 = arith.constant 1.000000e+00 : f32
    %div3A_758 = vector.broadcast %div3A_757 : f32 to vector<16xf32>
    %div3A_759 = arith.divf %div3A_758, %add3A_756 : vector<16xf32>
    %swap3A_760 = arith.constant 160 : index
    %swap3A_761 = tpu.vector_load %arg13[%swap3A_760] {strides = array<i32>} : memref<512xf32, #tpu.memory_space<vmem>>, vector<16xf32>,
    tpu.vector_store %arg13[%swap3A_760], %div3A_759 {strides = array<i32>} : memref<512xf32, #tpu.memory_space<vmem>>, vector<16xf32>,
    %get3A_762 = arith.constant 176 : index
    %get3A_763 = tpu.vector_load %arg6[%get3A_762] {strides = array<i32>} : memref<512xi32, #tpu.memory_space<vmem>>, vector<16xi32>,
    %get3A_764 = arith.constant 176 : index
    %get3A_765 = tpu.vector_load %arg7[%get3A_764] {strides = array<i32>} : memref<512xi32, #tpu.memory_space<vmem>>, vector<16xi32>,
    %mul3A_766 = arith.constant 10000 : i32
    %mul3A_767 = vector.broadcast %mul3A_766 : i32 to vector<16xi32>
    %mul3A_768 = arith.muli %get3A_763, %mul3A_767 : vector<16xi32>
    %add3A_769 = arith.addi %mul3A_768, %get3A_765 : vector<16xi32>
    %and3A_770 = arith.constant 127 : i32
    %and3A_771 = vector.broadcast %and3A_770 : i32 to vector<16xi32>
    %and3A_772 = arith.andi %add3A_769, %and3A_771 : vector<16xi32>
    %add3A_773 = arith.constant 176 : i32
    %add3A_774 = vector.broadcast %add3A_773 : i32 to vector<16xi32>
    %add3A_775 = arith.addi %add3A_774, %iota3A : vector<16xi32>
    %gather3A_776 = tpu.vector_load_idx %arg12[%add3A_775, %and3A_772] : memref<512x128xf32, #tpu.memory_space<vmem>>[vector<16xi32>, vector<16xi32>], vector<16xf32>,
    %neg3A_777 = arith.constant 0.000000e+00 : f32
    %neg3A_778 = vector.broadcast %neg3A_777 : f32 to vector<16xf32>
    %neg3A_779 = arith.subf %neg3A_778, %gather3A_776 : vector<16xf32>
    %exp3A_780 = math.exp %neg3A_779 : vector<16xf32>
    %add3A_781 = arith.constant 1.000000e+00 : f32
    %add3A_782 = vector.broadcast %add3A_781 : f32 to vector<16xf32>
    %add3A_783 = arith.addf %add3A_782, %exp3A_780 : vector<16xf32>
    %div3A_784 = arith.constant 1.000000e+00 : f32
    %div3A_785 = vector.broadcast %div3A_784 : f32 to vector<16xf32>
    %div3A_786 = arith.divf %div3A_785, %add3A_783 : vector<16xf32>
    %swap3A_787 = arith.constant 176 : index
    %swap3A_788 = tpu.vector_load %arg13[%swap3A_787] {strides = array<i32>} : memref<512xf32, #tpu.memory_space<vmem>>, vector<16xf32>,
    tpu.vector_store %arg13[%swap3A_787], %div3A_786 {strides = array<i32>} : memref<512xf32, #tpu.memory_space<vmem>>, vector<16xf32>,
    %get3A_789 = arith.constant 192 : index
    %get3A_790 = tpu.vector_load %arg6[%get3A_789] {strides = array<i32>} : memref<512xi32, #tpu.memory_space<vmem>>, vector<16xi32>,
    %get3A_791 = arith.constant 192 : index
    %get3A_792 = tpu.vector_load %arg7[%get3A_791] {strides = array<i32>} : memref<512xi32, #tpu.memory_space<vmem>>, vector<16xi32>,
    %mul3A_793 = arith.constant 10000 : i32
    %mul3A_794 = vector.broadcast %mul3A_793 : i32 to vector<16xi32>
    %mul3A_795 = arith.muli %get3A_790, %mul3A_794 : vector<16xi32>
    %add3A_796 = arith.addi %mul3A_795, %get3A_792 : vector<16xi32>
    %and3A_797 = arith.constant 127 : i32
    %and3A_798 = vector.broadcast %and3A_797 : i32 to vector<16xi32>
    %and3A_799 = arith.andi %add3A_796, %and3A_798 : vector<16xi32>
    %add3A_800 = arith.constant 192 : i32
    %add3A_801 = vector.broadcast %add3A_800 : i32 to vector<16xi32>
    %add3A_802 = arith.addi %add3A_801, %iota3A : vector<16xi32>
    %gather3A_803 = tpu.vector_load_idx %arg12[%add3A_802, %and3A_799] : memref<512x128xf32, #tpu.memory_space<vmem>>[vector<16xi32>, vector<16xi32>], vector<16xf32>,
    %neg3A_804 = arith.constant 0.000000e+00 : f32
    %neg3A_805 = vector.broadcast %neg3A_804 : f32 to vector<16xf32>
    %neg3A_806 = arith.subf %neg3A_805, %gather3A_803 : vector<16xf32>
    %exp3A_807 = math.exp %neg3A_806 : vector<16xf32>
    %add3A_808 = arith.constant 1.000000e+00 : f32
    %add3A_809 = vector.broadcast %add3A_808 : f32 to vector<16xf32>
    %add3A_810 = arith.addf %add3A_809, %exp3A_807 : vector<16xf32>
    %div3A_811 = arith.constant 1.000000e+00 : f32
    %div3A_812 = vector.broadcast %div3A_811 : f32 to vector<16xf32>
    %div3A_813 = arith.divf %div3A_812, %add3A_810 : vector<16xf32>
    %swap3A_814 = arith.constant 192 : index
    %swap3A_815 = tpu.vector_load %arg13[%swap3A_814] {strides = array<i32>} : memref<512xf32, #tpu.memory_space<vmem>>, vector<16xf32>,
    tpu.vector_store %arg13[%swap3A_814], %div3A_813 {strides = array<i32>} : memref<512xf32, #tpu.memory_space<vmem>>, vector<16xf32>,
    %get3A_816 = arith.constant 208 : index
    %get3A_817 = tpu.vector_load %arg6[%get3A_816] {strides = array<i32>} : memref<512xi32, #tpu.memory_space<vmem>>, vector<16xi32>,
    %get3A_818 = arith.constant 208 : index
    %get3A_819 = tpu.vector_load %arg7[%get3A_818] {strides = array<i32>} : memref<512xi32, #tpu.memory_space<vmem>>, vector<16xi32>,
    %mul3A_820 = arith.constant 10000 : i32
    %mul3A_821 = vector.broadcast %mul3A_820 : i32 to vector<16xi32>
    %mul3A_822 = arith.muli %get3A_817, %mul3A_821 : vector<16xi32>
    %add3A_823 = arith.addi %mul3A_822, %get3A_819 : vector<16xi32>
    %and3A_824 = arith.constant 127 : i32
    %and3A_825 = vector.broadcast %and3A_824 : i32 to vector<16xi32>
    %and3A_826 = arith.andi %add3A_823, %and3A_825 : vector<16xi32>
    %add3A_827 = arith.constant 208 : i32
    %add3A_828 = vector.broadcast %add3A_827 : i32 to vector<16xi32>
    %add3A_829 = arith.addi %add3A_828, %iota3A : vector<16xi32>
    %gather3A_830 = tpu.vector_load_idx %arg12[%add3A_829, %and3A_826] : memref<512x128xf32, #tpu.memory_space<vmem>>[vector<16xi32>, vector<16xi32>], vector<16xf32>,
    %neg3A_831 = arith.constant 0.000000e+00 : f32
    %neg3A_832 = vector.broadcast %neg3A_831 : f32 to vector<16xf32>
    %neg3A_833 = arith.subf %neg3A_832, %gather3A_830 : vector<16xf32>
    %exp3A_834 = math.exp %neg3A_833 : vector<16xf32>
    %add3A_835 = arith.constant 1.000000e+00 : f32
    %add3A_836 = vector.broadcast %add3A_835 : f32 to vector<16xf32>
    %add3A_837 = arith.addf %add3A_836, %exp3A_834 : vector<16xf32>
    %div3A_838 = arith.constant 1.000000e+00 : f32
    %div3A_839 = vector.broadcast %div3A_838 : f32 to vector<16xf32>
    %div3A_840 = arith.divf %div3A_839, %add3A_837 : vector<16xf32>
    %swap3A_841 = arith.constant 208 : index
    %swap3A_842 = tpu.vector_load %arg13[%swap3A_841] {strides = array<i32>} : memref<512xf32, #tpu.memory_space<vmem>>, vector<16xf32>,
    tpu.vector_store %arg13[%swap3A_841], %div3A_840 {strides = array<i32>} : memref<512xf32, #tpu.memory_space<vmem>>, vector<16xf32>,
    %get3A_843 = arith.constant 224 : index
    %get3A_844 = tpu.vector_load %arg6[%get3A_843] {strides = array<i32>} : memref<512xi32, #tpu.memory_space<vmem>>, vector<16xi32>,
    %get3A_845 = arith.constant 224 : index
    %get3A_846 = tpu.vector_load %arg7[%get3A_845] {strides = array<i32>} : memref<512xi32, #tpu.memory_space<vmem>>, vector<16xi32>,
    %mul3A_847 = arith.constant 10000 : i32
    %mul3A_848 = vector.broadcast %mul3A_847 : i32 to vector<16xi32>
    %mul3A_849 = arith.muli %get3A_844, %mul3A_848 : vector<16xi32>
    %add3A_850 = arith.addi %mul3A_849, %get3A_846 : vector<16xi32>
    %and3A_851 = arith.constant 127 : i32
    %and3A_852 = vector.broadcast %and3A_851 : i32 to vector<16xi32>
    %and3A_853 = arith.andi %add3A_850, %and3A_852 : vector<16xi32>
    %add3A_854 = arith.constant 224 : i32
    %add3A_855 = vector.broadcast %add3A_854 : i32 to vector<16xi32>
    %add3A_856 = arith.addi %add3A_855, %iota3A : vector<16xi32>
    %gather3A_857 = tpu.vector_load_idx %arg12[%add3A_856, %and3A_853] : memref<512x128xf32, #tpu.memory_space<vmem>>[vector<16xi32>, vector<16xi32>], vector<16xf32>,
    %neg3A_858 = arith.constant 0.000000e+00 : f32
    %neg3A_859 = vector.broadcast %neg3A_858 : f32 to vector<16xf32>
    %neg3A_860 = arith.subf %neg3A_859, %gather3A_857 : vector<16xf32>
    %exp3A_861 = math.exp %neg3A_860 : vector<16xf32>
    %add3A_862 = arith.constant 1.000000e+00 : f32
    %add3A_863 = vector.broadcast %add3A_862 : f32 to vector<16xf32>
    %add3A_864 = arith.addf %add3A_863, %exp3A_861 : vector<16xf32>
    %div3A_865 = arith.constant 1.000000e+00 : f32
    %div3A_866 = vector.broadcast %div3A_865 : f32 to vector<16xf32>
    %div3A_867 = arith.divf %div3A_866, %add3A_864 : vector<16xf32>
    %swap3A_868 = arith.constant 224 : index
    %swap3A_869 = tpu.vector_load %arg13[%swap3A_868] {strides = array<i32>} : memref<512xf32, #tpu.memory_space<vmem>>, vector<16xf32>,
    tpu.vector_store %arg13[%swap3A_868], %div3A_867 {strides = array<i32>} : memref<512xf32, #tpu.memory_space<vmem>>, vector<16xf32>,
    %get3A_870 = arith.constant 240 : index
    %get3A_871 = tpu.vector_load %arg6[%get3A_870] {strides = array<i32>} : memref<512xi32, #tpu.memory_space<vmem>>, vector<16xi32>,
    %get3A_872 = arith.constant 240 : index
    %get3A_873 = tpu.vector_load %arg7[%get3A_872] {strides = array<i32>} : memref<512xi32, #tpu.memory_space<vmem>>, vector<16xi32>,
    %mul3A_874 = arith.constant 10000 : i32
    %mul3A_875 = vector.broadcast %mul3A_874 : i32 to vector<16xi32>
    %mul3A_876 = arith.muli %get3A_871, %mul3A_875 : vector<16xi32>
    %add3A_877 = arith.addi %mul3A_876, %get3A_873 : vector<16xi32>
    %and3A_878 = arith.constant 127 : i32
    %and3A_879 = vector.broadcast %and3A_878 : i32 to vector<16xi32>
    %and3A_880 = arith.andi %add3A_877, %and3A_879 : vector<16xi32>
    %add3A_881 = arith.constant 240 : i32
    %add3A_882 = vector.broadcast %add3A_881 : i32 to vector<16xi32>
    %add3A_883 = arith.addi %add3A_882, %iota3A : vector<16xi32>
    %gather3A_884 = tpu.vector_load_idx %arg12[%add3A_883, %and3A_880] : memref<512x128xf32, #tpu.memory_space<vmem>>[vector<16xi32>, vector<16xi32>], vector<16xf32>,
    %neg3A_885 = arith.constant 0.000000e+00 : f32
    %neg3A_886 = vector.broadcast %neg3A_885 : f32 to vector<16xf32>
    %neg3A_887 = arith.subf %neg3A_886, %gather3A_884 : vector<16xf32>
    %exp3A_888 = math.exp %neg3A_887 : vector<16xf32>
    %add3A_889 = arith.constant 1.000000e+00 : f32
    %add3A_890 = vector.broadcast %add3A_889 : f32 to vector<16xf32>
    %add3A_891 = arith.addf %add3A_890, %exp3A_888 : vector<16xf32>
    %div3A_892 = arith.constant 1.000000e+00 : f32
    %div3A_893 = vector.broadcast %div3A_892 : f32 to vector<16xf32>
    %div3A_894 = arith.divf %div3A_893, %add3A_891 : vector<16xf32>
    %swap3A_895 = arith.constant 240 : index
    %swap3A_896 = tpu.vector_load %arg13[%swap3A_895] {strides = array<i32>} : memref<512xf32, #tpu.memory_space<vmem>>, vector<16xf32>,
    tpu.vector_store %arg13[%swap3A_895], %div3A_894 {strides = array<i32>} : memref<512xf32, #tpu.memory_space<vmem>>, vector<16xf32>,
    %get3A_897 = arith.constant 256 : index
    %get3A_898 = tpu.vector_load %arg6[%get3A_897] {strides = array<i32>} : memref<512xi32, #tpu.memory_space<vmem>>, vector<16xi32>,
    %get3A_899 = arith.constant 256 : index
    %get3A_900 = tpu.vector_load %arg7[%get3A_899] {strides = array<i32>} : memref<512xi32, #tpu.memory_space<vmem>>, vector<16xi32>,
    %mul3A_901 = arith.constant 10000 : i32
    %mul3A_902 = vector.broadcast %mul3A_901 : i32 to vector<16xi32>
    %mul3A_903 = arith.muli %get3A_898, %mul3A_902 : vector<16xi32>
    %add3A_904 = arith.addi %mul3A_903, %get3A_900 : vector<16xi32>
    %and3A_905 = arith.constant 127 : i32
    %and3A_906 = vector.broadcast %and3A_905 : i32 to vector<16xi32>
    %and3A_907 = arith.andi %add3A_904, %and3A_906 : vector<16xi32>
    %add3A_908 = arith.constant 256 : i32
    %add3A_909 = vector.broadcast %add3A_908 : i32 to vector<16xi32>
    %add3A_910 = arith.addi %add3A_909, %iota3A : vector<16xi32>
    %gather3A_911 = tpu.vector_load_idx %arg12[%add3A_910, %and3A_907] : memref<512x128xf32, #tpu.memory_space<vmem>>[vector<16xi32>, vector<16xi32>], vector<16xf32>,
    %neg3A_912 = arith.constant 0.000000e+00 : f32
    %neg3A_913 = vector.broadcast %neg3A_912 : f32 to vector<16xf32>
    %neg3A_914 = arith.subf %neg3A_913, %gather3A_911 : vector<16xf32>
    %exp3A_915 = math.exp %neg3A_914 : vector<16xf32>
    %add3A_916 = arith.constant 1.000000e+00 : f32
    %add3A_917 = vector.broadcast %add3A_916 : f32 to vector<16xf32>
    %add3A_918 = arith.addf %add3A_917, %exp3A_915 : vector<16xf32>
    %div3A_919 = arith.constant 1.000000e+00 : f32
    %div3A_920 = vector.broadcast %div3A_919 : f32 to vector<16xf32>
    %div3A_921 = arith.divf %div3A_920, %add3A_918 : vector<16xf32>
    %swap3A_922 = arith.constant 256 : index
    %swap3A_923 = tpu.vector_load %arg13[%swap3A_922] {strides = array<i32>} : memref<512xf32, #tpu.memory_space<vmem>>, vector<16xf32>,
    tpu.vector_store %arg13[%swap3A_922], %div3A_921 {strides = array<i32>} : memref<512xf32, #tpu.memory_space<vmem>>, vector<16xf32>,
    %get3A_924 = arith.constant 272 : index
    %get3A_925 = tpu.vector_load %arg6[%get3A_924] {strides = array<i32>} : memref<512xi32, #tpu.memory_space<vmem>>, vector<16xi32>,
    %get3A_926 = arith.constant 272 : index
    %get3A_927 = tpu.vector_load %arg7[%get3A_926] {strides = array<i32>} : memref<512xi32, #tpu.memory_space<vmem>>, vector<16xi32>,
    %mul3A_928 = arith.constant 10000 : i32
    %mul3A_929 = vector.broadcast %mul3A_928 : i32 to vector<16xi32>
    %mul3A_930 = arith.muli %get3A_925, %mul3A_929 : vector<16xi32>
    %add3A_931 = arith.addi %mul3A_930, %get3A_927 : vector<16xi32>
    %and3A_932 = arith.constant 127 : i32
    %and3A_933 = vector.broadcast %and3A_932 : i32 to vector<16xi32>
    %and3A_934 = arith.andi %add3A_931, %and3A_933 : vector<16xi32>
    %add3A_935 = arith.constant 272 : i32
    %add3A_936 = vector.broadcast %add3A_935 : i32 to vector<16xi32>
    %add3A_937 = arith.addi %add3A_936, %iota3A : vector<16xi32>
    %gather3A_938 = tpu.vector_load_idx %arg12[%add3A_937, %and3A_934] : memref<512x128xf32, #tpu.memory_space<vmem>>[vector<16xi32>, vector<16xi32>], vector<16xf32>,
    %neg3A_939 = arith.constant 0.000000e+00 : f32
    %neg3A_940 = vector.broadcast %neg3A_939 : f32 to vector<16xf32>
    %neg3A_941 = arith.subf %neg3A_940, %gather3A_938 : vector<16xf32>
    %exp3A_942 = math.exp %neg3A_941 : vector<16xf32>
    %add3A_943 = arith.constant 1.000000e+00 : f32
    %add3A_944 = vector.broadcast %add3A_943 : f32 to vector<16xf32>
    %add3A_945 = arith.addf %add3A_944, %exp3A_942 : vector<16xf32>
    %div3A_946 = arith.constant 1.000000e+00 : f32
    %div3A_947 = vector.broadcast %div3A_946 : f32 to vector<16xf32>
    %div3A_948 = arith.divf %div3A_947, %add3A_945 : vector<16xf32>
    %swap3A_949 = arith.constant 272 : index
    %swap3A_950 = tpu.vector_load %arg13[%swap3A_949] {strides = array<i32>} : memref<512xf32, #tpu.memory_space<vmem>>, vector<16xf32>,
    tpu.vector_store %arg13[%swap3A_949], %div3A_948 {strides = array<i32>} : memref<512xf32, #tpu.memory_space<vmem>>, vector<16xf32>,
    %get3A_951 = arith.constant 288 : index
    %get3A_952 = tpu.vector_load %arg6[%get3A_951] {strides = array<i32>} : memref<512xi32, #tpu.memory_space<vmem>>, vector<16xi32>,
    %get3A_953 = arith.constant 288 : index
    %get3A_954 = tpu.vector_load %arg7[%get3A_953] {strides = array<i32>} : memref<512xi32, #tpu.memory_space<vmem>>, vector<16xi32>,
    %mul3A_955 = arith.constant 10000 : i32
    %mul3A_956 = vector.broadcast %mul3A_955 : i32 to vector<16xi32>
    %mul3A_957 = arith.muli %get3A_952, %mul3A_956 : vector<16xi32>
    %add3A_958 = arith.addi %mul3A_957, %get3A_954 : vector<16xi32>
    %and3A_959 = arith.constant 127 : i32
    %and3A_960 = vector.broadcast %and3A_959 : i32 to vector<16xi32>
    %and3A_961 = arith.andi %add3A_958, %and3A_960 : vector<16xi32>
    %add3A_962 = arith.constant 288 : i32
    %add3A_963 = vector.broadcast %add3A_962 : i32 to vector<16xi32>
    %add3A_964 = arith.addi %add3A_963, %iota3A : vector<16xi32>
    %gather3A_965 = tpu.vector_load_idx %arg12[%add3A_964, %and3A_961] : memref<512x128xf32, #tpu.memory_space<vmem>>[vector<16xi32>, vector<16xi32>], vector<16xf32>,
    %neg3A_966 = arith.constant 0.000000e+00 : f32
    %neg3A_967 = vector.broadcast %neg3A_966 : f32 to vector<16xf32>
    %neg3A_968 = arith.subf %neg3A_967, %gather3A_965 : vector<16xf32>
    %exp3A_969 = math.exp %neg3A_968 : vector<16xf32>
    %add3A_970 = arith.constant 1.000000e+00 : f32
    %add3A_971 = vector.broadcast %add3A_970 : f32 to vector<16xf32>
    %add3A_972 = arith.addf %add3A_971, %exp3A_969 : vector<16xf32>
    %div3A_973 = arith.constant 1.000000e+00 : f32
    %div3A_974 = vector.broadcast %div3A_973 : f32 to vector<16xf32>
    %div3A_975 = arith.divf %div3A_974, %add3A_972 : vector<16xf32>
    %swap3A_976 = arith.constant 288 : index
    %swap3A_977 = tpu.vector_load %arg13[%swap3A_976] {strides = array<i32>} : memref<512xf32, #tpu.memory_space<vmem>>, vector<16xf32>,
    tpu.vector_store %arg13[%swap3A_976], %div3A_975 {strides = array<i32>} : memref<512xf32, #tpu.memory_space<vmem>>, vector<16xf32>,
    %get3A_978 = arith.constant 304 : index
    %get3A_979 = tpu.vector_load %arg6[%get3A_978] {strides = array<i32>} : memref<512xi32, #tpu.memory_space<vmem>>, vector<16xi32>,
    %get3A_980 = arith.constant 304 : index
    %get3A_981 = tpu.vector_load %arg7[%get3A_980] {strides = array<i32>} : memref<512xi32, #tpu.memory_space<vmem>>, vector<16xi32>,
    %mul3A_982 = arith.constant 10000 : i32
    %mul3A_983 = vector.broadcast %mul3A_982 : i32 to vector<16xi32>
    %mul3A_984 = arith.muli %get3A_979, %mul3A_983 : vector<16xi32>
    %add3A_985 = arith.addi %mul3A_984, %get3A_981 : vector<16xi32>
    %and3A_986 = arith.constant 127 : i32
    %and3A_987 = vector.broadcast %and3A_986 : i32 to vector<16xi32>
    %and3A_988 = arith.andi %add3A_985, %and3A_987 : vector<16xi32>
    %add3A_989 = arith.constant 304 : i32
    %add3A_990 = vector.broadcast %add3A_989 : i32 to vector<16xi32>
    %add3A_991 = arith.addi %add3A_990, %iota3A : vector<16xi32>
    %gather3A_992 = tpu.vector_load_idx %arg12[%add3A_991, %and3A_988] : memref<512x128xf32, #tpu.memory_space<vmem>>[vector<16xi32>, vector<16xi32>], vector<16xf32>,
    %neg3A_993 = arith.constant 0.000000e+00 : f32
    %neg3A_994 = vector.broadcast %neg3A_993 : f32 to vector<16xf32>
    %neg3A_995 = arith.subf %neg3A_994, %gather3A_992 : vector<16xf32>
    %exp3A_996 = math.exp %neg3A_995 : vector<16xf32>
    %add3A_997 = arith.constant 1.000000e+00 : f32
    %add3A_998 = vector.broadcast %add3A_997 : f32 to vector<16xf32>
    %add3A_999 = arith.addf %add3A_998, %exp3A_996 : vector<16xf32>
    %div3A_1000 = arith.constant 1.000000e+00 : f32
    %div3A_1001 = vector.broadcast %div3A_1000 : f32 to vector<16xf32>
    %div3A_1002 = arith.divf %div3A_1001, %add3A_999 : vector<16xf32>
    %swap3A_1003 = arith.constant 304 : index
    %swap3A_1004 = tpu.vector_load %arg13[%swap3A_1003] {strides = array<i32>} : memref<512xf32, #tpu.memory_space<vmem>>, vector<16xf32>,
    tpu.vector_store %arg13[%swap3A_1003], %div3A_1002 {strides = array<i32>} : memref<512xf32, #tpu.memory_space<vmem>>, vector<16xf32>,
    %get3A_1005 = arith.constant 320 : index
    %get3A_1006 = tpu.vector_load %arg6[%get3A_1005] {strides = array<i32>} : memref<512xi32, #tpu.memory_space<vmem>>, vector<16xi32>,
    %get3A_1007 = arith.constant 320 : index
    %get3A_1008 = tpu.vector_load %arg7[%get3A_1007] {strides = array<i32>} : memref<512xi32, #tpu.memory_space<vmem>>, vector<16xi32>,
    %mul3A_1009 = arith.constant 10000 : i32
    %mul3A_1010 = vector.broadcast %mul3A_1009 : i32 to vector<16xi32>
    %mul3A_1011 = arith.muli %get3A_1006, %mul3A_1010 : vector<16xi32>
    %add3A_1012 = arith.addi %mul3A_1011, %get3A_1008 : vector<16xi32>
    %and3A_1013 = arith.constant 127 : i32
    %and3A_1014 = vector.broadcast %and3A_1013 : i32 to vector<16xi32>
    %and3A_1015 = arith.andi %add3A_1012, %and3A_1014 : vector<16xi32>
    %add3A_1016 = arith.constant 320 : i32
    %add3A_1017 = vector.broadcast %add3A_1016 : i32 to vector<16xi32>
    %add3A_1018 = arith.addi %add3A_1017, %iota3A : vector<16xi32>
    %gather3A_1019 = tpu.vector_load_idx %arg12[%add3A_1018, %and3A_1015] : memref<512x128xf32, #tpu.memory_space<vmem>>[vector<16xi32>, vector<16xi32>], vector<16xf32>,
    %neg3A_1020 = arith.constant 0.000000e+00 : f32
    %neg3A_1021 = vector.broadcast %neg3A_1020 : f32 to vector<16xf32>
    %neg3A_1022 = arith.subf %neg3A_1021, %gather3A_1019 : vector<16xf32>
    %exp3A_1023 = math.exp %neg3A_1022 : vector<16xf32>
    %add3A_1024 = arith.constant 1.000000e+00 : f32
    %add3A_1025 = vector.broadcast %add3A_1024 : f32 to vector<16xf32>
    %add3A_1026 = arith.addf %add3A_1025, %exp3A_1023 : vector<16xf32>
    %div3A_1027 = arith.constant 1.000000e+00 : f32
    %div3A_1028 = vector.broadcast %div3A_1027 : f32 to vector<16xf32>
    %div3A_1029 = arith.divf %div3A_1028, %add3A_1026 : vector<16xf32>
    %swap3A_1030 = arith.constant 320 : index
    %swap3A_1031 = tpu.vector_load %arg13[%swap3A_1030] {strides = array<i32>} : memref<512xf32, #tpu.memory_space<vmem>>, vector<16xf32>,
    tpu.vector_store %arg13[%swap3A_1030], %div3A_1029 {strides = array<i32>} : memref<512xf32, #tpu.memory_space<vmem>>, vector<16xf32>,
    %get3A_1032 = arith.constant 336 : index
    %get3A_1033 = tpu.vector_load %arg6[%get3A_1032] {strides = array<i32>} : memref<512xi32, #tpu.memory_space<vmem>>, vector<16xi32>,
    %get3A_1034 = arith.constant 336 : index
    %get3A_1035 = tpu.vector_load %arg7[%get3A_1034] {strides = array<i32>} : memref<512xi32, #tpu.memory_space<vmem>>, vector<16xi32>,
    %mul3A_1036 = arith.constant 10000 : i32
    %mul3A_1037 = vector.broadcast %mul3A_1036 : i32 to vector<16xi32>
    %mul3A_1038 = arith.muli %get3A_1033, %mul3A_1037 : vector<16xi32>
    %add3A_1039 = arith.addi %mul3A_1038, %get3A_1035 : vector<16xi32>
    %and3A_1040 = arith.constant 127 : i32
    %and3A_1041 = vector.broadcast %and3A_1040 : i32 to vector<16xi32>
    %and3A_1042 = arith.andi %add3A_1039, %and3A_1041 : vector<16xi32>
    %add3A_1043 = arith.constant 336 : i32
    %add3A_1044 = vector.broadcast %add3A_1043 : i32 to vector<16xi32>
    %add3A_1045 = arith.addi %add3A_1044, %iota3A : vector<16xi32>
    %gather3A_1046 = tpu.vector_load_idx %arg12[%add3A_1045, %and3A_1042] : memref<512x128xf32, #tpu.memory_space<vmem>>[vector<16xi32>, vector<16xi32>], vector<16xf32>,
    %neg3A_1047 = arith.constant 0.000000e+00 : f32
    %neg3A_1048 = vector.broadcast %neg3A_1047 : f32 to vector<16xf32>
    %neg3A_1049 = arith.subf %neg3A_1048, %gather3A_1046 : vector<16xf32>
    %exp3A_1050 = math.exp %neg3A_1049 : vector<16xf32>
    %add3A_1051 = arith.constant 1.000000e+00 : f32
    %add3A_1052 = vector.broadcast %add3A_1051 : f32 to vector<16xf32>
    %add3A_1053 = arith.addf %add3A_1052, %exp3A_1050 : vector<16xf32>
    %div3A_1054 = arith.constant 1.000000e+00 : f32
    %div3A_1055 = vector.broadcast %div3A_1054 : f32 to vector<16xf32>
    %div3A_1056 = arith.divf %div3A_1055, %add3A_1053 : vector<16xf32>
    %swap3A_1057 = arith.constant 336 : index
    %swap3A_1058 = tpu.vector_load %arg13[%swap3A_1057] {strides = array<i32>} : memref<512xf32, #tpu.memory_space<vmem>>, vector<16xf32>,
    tpu.vector_store %arg13[%swap3A_1057], %div3A_1056 {strides = array<i32>} : memref<512xf32, #tpu.memory_space<vmem>>, vector<16xf32>,
    %get3A_1059 = arith.constant 352 : index
    %get3A_1060 = tpu.vector_load %arg6[%get3A_1059] {strides = array<i32>} : memref<512xi32, #tpu.memory_space<vmem>>, vector<16xi32>,
    %get3A_1061 = arith.constant 352 : index
    %get3A_1062 = tpu.vector_load %arg7[%get3A_1061] {strides = array<i32>} : memref<512xi32, #tpu.memory_space<vmem>>, vector<16xi32>,
    %mul3A_1063 = arith.constant 10000 : i32
    %mul3A_1064 = vector.broadcast %mul3A_1063 : i32 to vector<16xi32>
    %mul3A_1065 = arith.muli %get3A_1060, %mul3A_1064 : vector<16xi32>
    %add3A_1066 = arith.addi %mul3A_1065, %get3A_1062 : vector<16xi32>
    %and3A_1067 = arith.constant 127 : i32
    %and3A_1068 = vector.broadcast %and3A_1067 : i32 to vector<16xi32>
    %and3A_1069 = arith.andi %add3A_1066, %and3A_1068 : vector<16xi32>
    %add3A_1070 = arith.constant 352 : i32
    %add3A_1071 = vector.broadcast %add3A_1070 : i32 to vector<16xi32>
    %add3A_1072 = arith.addi %add3A_1071, %iota3A : vector<16xi32>
    %gather3A_1073 = tpu.vector_load_idx %arg12[%add3A_1072, %and3A_1069] : memref<512x128xf32, #tpu.memory_space<vmem>>[vector<16xi32>, vector<16xi32>], vector<16xf32>,
    %neg3A_1074 = arith.constant 0.000000e+00 : f32
    %neg3A_1075 = vector.broadcast %neg3A_1074 : f32 to vector<16xf32>
    %neg3A_1076 = arith.subf %neg3A_1075, %gather3A_1073 : vector<16xf32>
    %exp3A_1077 = math.exp %neg3A_1076 : vector<16xf32>
    %add3A_1078 = arith.constant 1.000000e+00 : f32
    %add3A_1079 = vector.broadcast %add3A_1078 : f32 to vector<16xf32>
    %add3A_1080 = arith.addf %add3A_1079, %exp3A_1077 : vector<16xf32>
    %div3A_1081 = arith.constant 1.000000e+00 : f32
    %div3A_1082 = vector.broadcast %div3A_1081 : f32 to vector<16xf32>
    %div3A_1083 = arith.divf %div3A_1082, %add3A_1080 : vector<16xf32>
    %swap3A_1084 = arith.constant 352 : index
    %swap3A_1085 = tpu.vector_load %arg13[%swap3A_1084] {strides = array<i32>} : memref<512xf32, #tpu.memory_space<vmem>>, vector<16xf32>,
    tpu.vector_store %arg13[%swap3A_1084], %div3A_1083 {strides = array<i32>} : memref<512xf32, #tpu.memory_space<vmem>>, vector<16xf32>,
    %get3A_1086 = arith.constant 368 : index
    %get3A_1087 = tpu.vector_load %arg6[%get3A_1086] {strides = array<i32>} : memref<512xi32, #tpu.memory_space<vmem>>, vector<16xi32>,
    %get3A_1088 = arith.constant 368 : index
    %get3A_1089 = tpu.vector_load %arg7[%get3A_1088] {strides = array<i32>} : memref<512xi32, #tpu.memory_space<vmem>>, vector<16xi32>,
    %mul3A_1090 = arith.constant 10000 : i32
    %mul3A_1091 = vector.broadcast %mul3A_1090 : i32 to vector<16xi32>
    %mul3A_1092 = arith.muli %get3A_1087, %mul3A_1091 : vector<16xi32>
    %add3A_1093 = arith.addi %mul3A_1092, %get3A_1089 : vector<16xi32>
    %and3A_1094 = arith.constant 127 : i32
    %and3A_1095 = vector.broadcast %and3A_1094 : i32 to vector<16xi32>
    %and3A_1096 = arith.andi %add3A_1093, %and3A_1095 : vector<16xi32>
    %add3A_1097 = arith.constant 368 : i32
    %add3A_1098 = vector.broadcast %add3A_1097 : i32 to vector<16xi32>
    %add3A_1099 = arith.addi %add3A_1098, %iota3A : vector<16xi32>
    %gather3A_1100 = tpu.vector_load_idx %arg12[%add3A_1099, %and3A_1096] : memref<512x128xf32, #tpu.memory_space<vmem>>[vector<16xi32>, vector<16xi32>], vector<16xf32>,
    %neg3A_1101 = arith.constant 0.000000e+00 : f32
    %neg3A_1102 = vector.broadcast %neg3A_1101 : f32 to vector<16xf32>
    %neg3A_1103 = arith.subf %neg3A_1102, %gather3A_1100 : vector<16xf32>
    %exp3A_1104 = math.exp %neg3A_1103 : vector<16xf32>
    %add3A_1105 = arith.constant 1.000000e+00 : f32
    %add3A_1106 = vector.broadcast %add3A_1105 : f32 to vector<16xf32>
    %add3A_1107 = arith.addf %add3A_1106, %exp3A_1104 : vector<16xf32>
    %div3A_1108 = arith.constant 1.000000e+00 : f32
    %div3A_1109 = vector.broadcast %div3A_1108 : f32 to vector<16xf32>
    %div3A_1110 = arith.divf %div3A_1109, %add3A_1107 : vector<16xf32>
    %swap3A_1111 = arith.constant 368 : index
    %swap3A_1112 = tpu.vector_load %arg13[%swap3A_1111] {strides = array<i32>} : memref<512xf32, #tpu.memory_space<vmem>>, vector<16xf32>,
    tpu.vector_store %arg13[%swap3A_1111], %div3A_1110 {strides = array<i32>} : memref<512xf32, #tpu.memory_space<vmem>>, vector<16xf32>,
    %get3A_1113 = arith.constant 384 : index
    %get3A_1114 = tpu.vector_load %arg6[%get3A_1113] {strides = array<i32>} : memref<512xi32, #tpu.memory_space<vmem>>, vector<16xi32>,
    %get3A_1115 = arith.constant 384 : index
    %get3A_1116 = tpu.vector_load %arg7[%get3A_1115] {strides = array<i32>} : memref<512xi32, #tpu.memory_space<vmem>>, vector<16xi32>,
    %mul3A_1117 = arith.constant 10000 : i32
    %mul3A_1118 = vector.broadcast %mul3A_1117 : i32 to vector<16xi32>
    %mul3A_1119 = arith.muli %get3A_1114, %mul3A_1118 : vector<16xi32>
    %add3A_1120 = arith.addi %mul3A_1119, %get3A_1116 : vector<16xi32>
    %and3A_1121 = arith.constant 127 : i32
    %and3A_1122 = vector.broadcast %and3A_1121 : i32 to vector<16xi32>
    %and3A_1123 = arith.andi %add3A_1120, %and3A_1122 : vector<16xi32>
    %add3A_1124 = arith.constant 384 : i32
    %add3A_1125 = vector.broadcast %add3A_1124 : i32 to vector<16xi32>
    %add3A_1126 = arith.addi %add3A_1125, %iota3A : vector<16xi32>
    %gather3A_1127 = tpu.vector_load_idx %arg12[%add3A_1126, %and3A_1123] : memref<512x128xf32, #tpu.memory_space<vmem>>[vector<16xi32>, vector<16xi32>], vector<16xf32>,
    %neg3A_1128 = arith.constant 0.000000e+00 : f32
    %neg3A_1129 = vector.broadcast %neg3A_1128 : f32 to vector<16xf32>
    %neg3A_1130 = arith.subf %neg3A_1129, %gather3A_1127 : vector<16xf32>
    %exp3A_1131 = math.exp %neg3A_1130 : vector<16xf32>
    %add3A_1132 = arith.constant 1.000000e+00 : f32
    %add3A_1133 = vector.broadcast %add3A_1132 : f32 to vector<16xf32>
    %add3A_1134 = arith.addf %add3A_1133, %exp3A_1131 : vector<16xf32>
    %div3A_1135 = arith.constant 1.000000e+00 : f32
    %div3A_1136 = vector.broadcast %div3A_1135 : f32 to vector<16xf32>
    %div3A_1137 = arith.divf %div3A_1136, %add3A_1134 : vector<16xf32>
    %swap3A_1138 = arith.constant 384 : index
    %swap3A_1139 = tpu.vector_load %arg13[%swap3A_1138] {strides = array<i32>} : memref<512xf32, #tpu.memory_space<vmem>>, vector<16xf32>,
    tpu.vector_store %arg13[%swap3A_1138], %div3A_1137 {strides = array<i32>} : memref<512xf32, #tpu.memory_space<vmem>>, vector<16xf32>,
    %get3A_1140 = arith.constant 400 : index
    %get3A_1141 = tpu.vector_load %arg6[%get3A_1140] {strides = array<i32>} : memref<512xi32, #tpu.memory_space<vmem>>, vector<16xi32>,
    %get3A_1142 = arith.constant 400 : index
    %get3A_1143 = tpu.vector_load %arg7[%get3A_1142] {strides = array<i32>} : memref<512xi32, #tpu.memory_space<vmem>>, vector<16xi32>,
    %mul3A_1144 = arith.constant 10000 : i32
    %mul3A_1145 = vector.broadcast %mul3A_1144 : i32 to vector<16xi32>
    %mul3A_1146 = arith.muli %get3A_1141, %mul3A_1145 : vector<16xi32>
    %add3A_1147 = arith.addi %mul3A_1146, %get3A_1143 : vector<16xi32>
    %and3A_1148 = arith.constant 127 : i32
    %and3A_1149 = vector.broadcast %and3A_1148 : i32 to vector<16xi32>
    %and3A_1150 = arith.andi %add3A_1147, %and3A_1149 : vector<16xi32>
    %add3A_1151 = arith.constant 400 : i32
    %add3A_1152 = vector.broadcast %add3A_1151 : i32 to vector<16xi32>
    %add3A_1153 = arith.addi %add3A_1152, %iota3A : vector<16xi32>
    %gather3A_1154 = tpu.vector_load_idx %arg12[%add3A_1153, %and3A_1150] : memref<512x128xf32, #tpu.memory_space<vmem>>[vector<16xi32>, vector<16xi32>], vector<16xf32>,
    %neg3A_1155 = arith.constant 0.000000e+00 : f32
    %neg3A_1156 = vector.broadcast %neg3A_1155 : f32 to vector<16xf32>
    %neg3A_1157 = arith.subf %neg3A_1156, %gather3A_1154 : vector<16xf32>
    %exp3A_1158 = math.exp %neg3A_1157 : vector<16xf32>
    %add3A_1159 = arith.constant 1.000000e+00 : f32
    %add3A_1160 = vector.broadcast %add3A_1159 : f32 to vector<16xf32>
    %add3A_1161 = arith.addf %add3A_1160, %exp3A_1158 : vector<16xf32>
    %div3A_1162 = arith.constant 1.000000e+00 : f32
    %div3A_1163 = vector.broadcast %div3A_1162 : f32 to vector<16xf32>
    %div3A_1164 = arith.divf %div3A_1163, %add3A_1161 : vector<16xf32>
    %swap3A_1165 = arith.constant 400 : index
    %swap3A_1166 = tpu.vector_load %arg13[%swap3A_1165] {strides = array<i32>} : memref<512xf32, #tpu.memory_space<vmem>>, vector<16xf32>,
    tpu.vector_store %arg13[%swap3A_1165], %div3A_1164 {strides = array<i32>} : memref<512xf32, #tpu.memory_space<vmem>>, vector<16xf32>,
    %get3A_1167 = arith.constant 416 : index
    %get3A_1168 = tpu.vector_load %arg6[%get3A_1167] {strides = array<i32>} : memref<512xi32, #tpu.memory_space<vmem>>, vector<16xi32>,
    %get3A_1169 = arith.constant 416 : index
    %get3A_1170 = tpu.vector_load %arg7[%get3A_1169] {strides = array<i32>} : memref<512xi32, #tpu.memory_space<vmem>>, vector<16xi32>,
    %mul3A_1171 = arith.constant 10000 : i32
    %mul3A_1172 = vector.broadcast %mul3A_1171 : i32 to vector<16xi32>
    %mul3A_1173 = arith.muli %get3A_1168, %mul3A_1172 : vector<16xi32>
    %add3A_1174 = arith.addi %mul3A_1173, %get3A_1170 : vector<16xi32>
    %and3A_1175 = arith.constant 127 : i32
    %and3A_1176 = vector.broadcast %and3A_1175 : i32 to vector<16xi32>
    %and3A_1177 = arith.andi %add3A_1174, %and3A_1176 : vector<16xi32>
    %add3A_1178 = arith.constant 416 : i32
    %add3A_1179 = vector.broadcast %add3A_1178 : i32 to vector<16xi32>
    %add3A_1180 = arith.addi %add3A_1179, %iota3A : vector<16xi32>
    %gather3A_1181 = tpu.vector_load_idx %arg12[%add3A_1180, %and3A_1177] : memref<512x128xf32, #tpu.memory_space<vmem>>[vector<16xi32>, vector<16xi32>], vector<16xf32>,
    %neg3A_1182 = arith.constant 0.000000e+00 : f32
    %neg3A_1183 = vector.broadcast %neg3A_1182 : f32 to vector<16xf32>
    %neg3A_1184 = arith.subf %neg3A_1183, %gather3A_1181 : vector<16xf32>
    %exp3A_1185 = math.exp %neg3A_1184 : vector<16xf32>
    %add3A_1186 = arith.constant 1.000000e+00 : f32
    %add3A_1187 = vector.broadcast %add3A_1186 : f32 to vector<16xf32>
    %add3A_1188 = arith.addf %add3A_1187, %exp3A_1185 : vector<16xf32>
    %div3A_1189 = arith.constant 1.000000e+00 : f32
    %div3A_1190 = vector.broadcast %div3A_1189 : f32 to vector<16xf32>
    %div3A_1191 = arith.divf %div3A_1190, %add3A_1188 : vector<16xf32>
    %swap3A_1192 = arith.constant 416 : index
    %swap3A_1193 = tpu.vector_load %arg13[%swap3A_1192] {strides = array<i32>} : memref<512xf32, #tpu.memory_space<vmem>>, vector<16xf32>,
    tpu.vector_store %arg13[%swap3A_1192], %div3A_1191 {strides = array<i32>} : memref<512xf32, #tpu.memory_space<vmem>>, vector<16xf32>,
    %get3A_1194 = arith.constant 432 : index
    %get3A_1195 = tpu.vector_load %arg6[%get3A_1194] {strides = array<i32>} : memref<512xi32, #tpu.memory_space<vmem>>, vector<16xi32>,
    %get3A_1196 = arith.constant 432 : index
    %get3A_1197 = tpu.vector_load %arg7[%get3A_1196] {strides = array<i32>} : memref<512xi32, #tpu.memory_space<vmem>>, vector<16xi32>,
    %mul3A_1198 = arith.constant 10000 : i32
    %mul3A_1199 = vector.broadcast %mul3A_1198 : i32 to vector<16xi32>
    %mul3A_1200 = arith.muli %get3A_1195, %mul3A_1199 : vector<16xi32>
    %add3A_1201 = arith.addi %mul3A_1200, %get3A_1197 : vector<16xi32>
    %and3A_1202 = arith.constant 127 : i32
    %and3A_1203 = vector.broadcast %and3A_1202 : i32 to vector<16xi32>
    %and3A_1204 = arith.andi %add3A_1201, %and3A_1203 : vector<16xi32>
    %add3A_1205 = arith.constant 432 : i32
    %add3A_1206 = vector.broadcast %add3A_1205 : i32 to vector<16xi32>
    %add3A_1207 = arith.addi %add3A_1206, %iota3A : vector<16xi32>
    %gather3A_1208 = tpu.vector_load_idx %arg12[%add3A_1207, %and3A_1204] : memref<512x128xf32, #tpu.memory_space<vmem>>[vector<16xi32>, vector<16xi32>], vector<16xf32>,
    %neg3A_1209 = arith.constant 0.000000e+00 : f32
    %neg3A_1210 = vector.broadcast %neg3A_1209 : f32 to vector<16xf32>
    %neg3A_1211 = arith.subf %neg3A_1210, %gather3A_1208 : vector<16xf32>
    %exp3A_1212 = math.exp %neg3A_1211 : vector<16xf32>
    %add3A_1213 = arith.constant 1.000000e+00 : f32
    %add3A_1214 = vector.broadcast %add3A_1213 : f32 to vector<16xf32>
    %add3A_1215 = arith.addf %add3A_1214, %exp3A_1212 : vector<16xf32>
    %div3A_1216 = arith.constant 1.000000e+00 : f32
    %div3A_1217 = vector.broadcast %div3A_1216 : f32 to vector<16xf32>
    %div3A_1218 = arith.divf %div3A_1217, %add3A_1215 : vector<16xf32>
    %swap3A_1219 = arith.constant 432 : index
    %swap3A_1220 = tpu.vector_load %arg13[%swap3A_1219] {strides = array<i32>} : memref<512xf32, #tpu.memory_space<vmem>>, vector<16xf32>,
    tpu.vector_store %arg13[%swap3A_1219], %div3A_1218 {strides = array<i32>} : memref<512xf32, #tpu.memory_space<vmem>>, vector<16xf32>,
    %get3A_1221 = arith.constant 448 : index
    %get3A_1222 = tpu.vector_load %arg6[%get3A_1221] {strides = array<i32>} : memref<512xi32, #tpu.memory_space<vmem>>, vector<16xi32>,
    %get3A_1223 = arith.constant 448 : index
    %get3A_1224 = tpu.vector_load %arg7[%get3A_1223] {strides = array<i32>} : memref<512xi32, #tpu.memory_space<vmem>>, vector<16xi32>,
    %mul3A_1225 = arith.constant 10000 : i32
    %mul3A_1226 = vector.broadcast %mul3A_1225 : i32 to vector<16xi32>
    %mul3A_1227 = arith.muli %get3A_1222, %mul3A_1226 : vector<16xi32>
    %add3A_1228 = arith.addi %mul3A_1227, %get3A_1224 : vector<16xi32>
    %and3A_1229 = arith.constant 127 : i32
    %and3A_1230 = vector.broadcast %and3A_1229 : i32 to vector<16xi32>
    %and3A_1231 = arith.andi %add3A_1228, %and3A_1230 : vector<16xi32>
    %add3A_1232 = arith.constant 448 : i32
    %add3A_1233 = vector.broadcast %add3A_1232 : i32 to vector<16xi32>
    %add3A_1234 = arith.addi %add3A_1233, %iota3A : vector<16xi32>
    %gather3A_1235 = tpu.vector_load_idx %arg12[%add3A_1234, %and3A_1231] : memref<512x128xf32, #tpu.memory_space<vmem>>[vector<16xi32>, vector<16xi32>], vector<16xf32>,
    %neg3A_1236 = arith.constant 0.000000e+00 : f32
    %neg3A_1237 = vector.broadcast %neg3A_1236 : f32 to vector<16xf32>
    %neg3A_1238 = arith.subf %neg3A_1237, %gather3A_1235 : vector<16xf32>
    %exp3A_1239 = math.exp %neg3A_1238 : vector<16xf32>
    %add3A_1240 = arith.constant 1.000000e+00 : f32
    %add3A_1241 = vector.broadcast %add3A_1240 : f32 to vector<16xf32>
    %add3A_1242 = arith.addf %add3A_1241, %exp3A_1239 : vector<16xf32>
    %div3A_1243 = arith.constant 1.000000e+00 : f32
    %div3A_1244 = vector.broadcast %div3A_1243 : f32 to vector<16xf32>
    %div3A_1245 = arith.divf %div3A_1244, %add3A_1242 : vector<16xf32>
    %swap3A_1246 = arith.constant 448 : index
    %swap3A_1247 = tpu.vector_load %arg13[%swap3A_1246] {strides = array<i32>} : memref<512xf32, #tpu.memory_space<vmem>>, vector<16xf32>,
    tpu.vector_store %arg13[%swap3A_1246], %div3A_1245 {strides = array<i32>} : memref<512xf32, #tpu.memory_space<vmem>>, vector<16xf32>,
    %get3A_1248 = arith.constant 464 : index
    %get3A_1249 = tpu.vector_load %arg6[%get3A_1248] {strides = array<i32>} : memref<512xi32, #tpu.memory_space<vmem>>, vector<16xi32>,
    %get3A_1250 = arith.constant 464 : index
    %get3A_1251 = tpu.vector_load %arg7[%get3A_1250] {strides = array<i32>} : memref<512xi32, #tpu.memory_space<vmem>>, vector<16xi32>,
    %mul3A_1252 = arith.constant 10000 : i32
    %mul3A_1253 = vector.broadcast %mul3A_1252 : i32 to vector<16xi32>
    %mul3A_1254 = arith.muli %get3A_1249, %mul3A_1253 : vector<16xi32>
    %add3A_1255 = arith.addi %mul3A_1254, %get3A_1251 : vector<16xi32>
    %and3A_1256 = arith.constant 127 : i32
    %and3A_1257 = vector.broadcast %and3A_1256 : i32 to vector<16xi32>
    %and3A_1258 = arith.andi %add3A_1255, %and3A_1257 : vector<16xi32>
    %add3A_1259 = arith.constant 464 : i32
    %add3A_1260 = vector.broadcast %add3A_1259 : i32 to vector<16xi32>
    %add3A_1261 = arith.addi %add3A_1260, %iota3A : vector<16xi32>
    %gather3A_1262 = tpu.vector_load_idx %arg12[%add3A_1261, %and3A_1258] : memref<512x128xf32, #tpu.memory_space<vmem>>[vector<16xi32>, vector<16xi32>], vector<16xf32>,
    %neg3A_1263 = arith.constant 0.000000e+00 : f32
    %neg3A_1264 = vector.broadcast %neg3A_1263 : f32 to vector<16xf32>
    %neg3A_1265 = arith.subf %neg3A_1264, %gather3A_1262 : vector<16xf32>
    %exp3A_1266 = math.exp %neg3A_1265 : vector<16xf32>
    %add3A_1267 = arith.constant 1.000000e+00 : f32
    %add3A_1268 = vector.broadcast %add3A_1267 : f32 to vector<16xf32>
    %add3A_1269 = arith.addf %add3A_1268, %exp3A_1266 : vector<16xf32>
    %div3A_1270 = arith.constant 1.000000e+00 : f32
    %div3A_1271 = vector.broadcast %div3A_1270 : f32 to vector<16xf32>
    %div3A_1272 = arith.divf %div3A_1271, %add3A_1269 : vector<16xf32>
    %swap3A_1273 = arith.constant 464 : index
    %swap3A_1274 = tpu.vector_load %arg13[%swap3A_1273] {strides = array<i32>} : memref<512xf32, #tpu.memory_space<vmem>>, vector<16xf32>,
    tpu.vector_store %arg13[%swap3A_1273], %div3A_1272 {strides = array<i32>} : memref<512xf32, #tpu.memory_space<vmem>>, vector<16xf32>,
    %get3A_1275 = arith.constant 480 : index
    %get3A_1276 = tpu.vector_load %arg6[%get3A_1275] {strides = array<i32>} : memref<512xi32, #tpu.memory_space<vmem>>, vector<16xi32>,
    %get3A_1277 = arith.constant 480 : index
    %get3A_1278 = tpu.vector_load %arg7[%get3A_1277] {strides = array<i32>} : memref<512xi32, #tpu.memory_space<vmem>>, vector<16xi32>,
    %mul3A_1279 = arith.constant 10000 : i32
    %mul3A_1280 = vector.broadcast %mul3A_1279 : i32 to vector<16xi32>
    %mul3A_1281 = arith.muli %get3A_1276, %mul3A_1280 : vector<16xi32>
    %add3A_1282 = arith.addi %mul3A_1281, %get3A_1278 : vector<16xi32>
    %and3A_1283 = arith.constant 127 : i32
    %and3A_1284 = vector.broadcast %and3A_1283 : i32 to vector<16xi32>
    %and3A_1285 = arith.andi %add3A_1282, %and3A_1284 : vector<16xi32>
    %add3A_1286 = arith.constant 480 : i32
    %add3A_1287 = vector.broadcast %add3A_1286 : i32 to vector<16xi32>
    %add3A_1288 = arith.addi %add3A_1287, %iota3A : vector<16xi32>
    %gather3A_1289 = tpu.vector_load_idx %arg12[%add3A_1288, %and3A_1285] : memref<512x128xf32, #tpu.memory_space<vmem>>[vector<16xi32>, vector<16xi32>], vector<16xf32>,
    %neg3A_1290 = arith.constant 0.000000e+00 : f32
    %neg3A_1291 = vector.broadcast %neg3A_1290 : f32 to vector<16xf32>
    %neg3A_1292 = arith.subf %neg3A_1291, %gather3A_1289 : vector<16xf32>
    %exp3A_1293 = math.exp %neg3A_1292 : vector<16xf32>
    %add3A_1294 = arith.constant 1.000000e+00 : f32
    %add3A_1295 = vector.broadcast %add3A_1294 : f32 to vector<16xf32>
    %add3A_1296 = arith.addf %add3A_1295, %exp3A_1293 : vector<16xf32>
    %div3A_1297 = arith.constant 1.000000e+00 : f32
    %div3A_1298 = vector.broadcast %div3A_1297 : f32 to vector<16xf32>
    %div3A_1299 = arith.divf %div3A_1298, %add3A_1296 : vector<16xf32>
    %swap3A_1300 = arith.constant 480 : index
    %swap3A_1301 = tpu.vector_load %arg13[%swap3A_1300] {strides = array<i32>} : memref<512xf32, #tpu.memory_space<vmem>>, vector<16xf32>,
    tpu.vector_store %arg13[%swap3A_1300], %div3A_1299 {strides = array<i32>} : memref<512xf32, #tpu.memory_space<vmem>>, vector<16xf32>,
    %get3A_1302 = arith.constant 496 : index
    %get3A_1303 = tpu.vector_load %arg6[%get3A_1302] {strides = array<i32>} : memref<512xi32, #tpu.memory_space<vmem>>, vector<16xi32>,
    %get3A_1304 = arith.constant 496 : index
    %get3A_1305 = tpu.vector_load %arg7[%get3A_1304] {strides = array<i32>} : memref<512xi32, #tpu.memory_space<vmem>>, vector<16xi32>,
    %mul3A_1306 = arith.constant 10000 : i32
    %mul3A_1307 = vector.broadcast %mul3A_1306 : i32 to vector<16xi32>
    %mul3A_1308 = arith.muli %get3A_1303, %mul3A_1307 : vector<16xi32>
    %add3A_1309 = arith.addi %mul3A_1308, %get3A_1305 : vector<16xi32>
    %and3A_1310 = arith.constant 127 : i32
    %and3A_1311 = vector.broadcast %and3A_1310 : i32 to vector<16xi32>
    %and3A_1312 = arith.andi %add3A_1309, %and3A_1311 : vector<16xi32>
    %add3A_1313 = arith.constant 496 : i32
    %add3A_1314 = vector.broadcast %add3A_1313 : i32 to vector<16xi32>
    %add3A_1315 = arith.addi %add3A_1314, %iota3A : vector<16xi32>
    %gather3A_1316 = tpu.vector_load_idx %arg12[%add3A_1315, %and3A_1312] : memref<512x128xf32, #tpu.memory_space<vmem>>[vector<16xi32>, vector<16xi32>], vector<16xf32>,
    %neg3A_1317 = arith.constant 0.000000e+00 : f32
    %neg3A_1318 = vector.broadcast %neg3A_1317 : f32 to vector<16xf32>
    %neg3A_1319 = arith.subf %neg3A_1318, %gather3A_1316 : vector<16xf32>
    %exp3A_1320 = math.exp %neg3A_1319 : vector<16xf32>
    %add3A_1321 = arith.constant 1.000000e+00 : f32
    %add3A_1322 = vector.broadcast %add3A_1321 : f32 to vector<16xf32>
    %add3A_1323 = arith.addf %add3A_1322, %exp3A_1320 : vector<16xf32>
    %div3A_1324 = arith.constant 1.000000e+00 : f32
    %div3A_1325 = vector.broadcast %div3A_1324 : f32 to vector<16xf32>
    %div3A_1326 = arith.divf %div3A_1325, %add3A_1323 : vector<16xf32>
    %swap3A_1327 = arith.constant 496 : index
    %swap3A_1328 = tpu.vector_load %arg13[%swap3A_1327] {strides = array<i32>} : memref<512xf32, #tpu.memory_space<vmem>>, vector<16xf32>,
    tpu.vector_store %arg13[%swap3A_1327], %div3A_1326 {strides = array<i32>} : memref<512xf32, #tpu.memory_space<vmem>>, vector<16xf32>,
    "tpu.region"() ({
      %run_scoped3A = tpu.sem_alloc : memref<!tpu.dma_semaphore, #tpu.memory_space<semaphore_mem>>
      %dma_start3A_1329 = tpu.memref_slice %arg5[%mul3A_2] : memref<16384xf32, #tpu.memory_space<hbm>> -> memref<512xf32, #tpu.memory_space<hbm>>
      %dma_start3A_1330 = tpu.memref_slice %arg5[%mul3A_2] : memref<16384xf32, #tpu.memory_space<hbm>> -> memref<512xf32, #tpu.memory_space<hbm>>
      tpu.enqueue_dma source(%arg13 : memref<512xf32, #tpu.memory_space<vmem>>) target(%dma_start3A_1330 : memref<512xf32, #tpu.memory_space<hbm>>) target_semaphore(%run_scoped3A : memref<!tpu.dma_semaphore, #tpu.memory_space<semaphore_mem>>)
      %dma_wait3A_1331 = tpu.memref_slice %arg5[%mul3A_2] : memref<16384xf32, #tpu.memory_space<hbm>> -> memref<512xf32, #tpu.memory_space<hbm>>
      %dma_wait3A_1332 = tpu.memref_slice %arg5[%mul3A_2] : memref<16384xf32, #tpu.memory_space<hbm>> -> memref<512xf32, #tpu.memory_space<hbm>>
      tpu.wait_dma2 semaphore(%run_scoped3A : memref<!tpu.dma_semaphore, #tpu.memory_space<semaphore_mem>>) src(%arg13 : memref<512xf32, #tpu.memory_space<vmem>>) dst(%dma_wait3A_1332 : memref<512xf32, #tpu.memory_space<hbm>>)
      tpu.yield
    }) : () -> ()
    return
  }
}

</mosaic_0001>

<sc_bundles>
// kernel: kernel.3.cloned.1.call-start
scs
__scs_entry_jumppad:
0x0: {  	(pc) =	sbr.rel $0x88, $3  }
0x1: {  	(tag) =	ssettag $0x0;
	lr =	simm.s32 $0x1  }
0x2: {  	[smem:$0x3F9E] =	sst lr;
	_ =	strace $0xD0000000  }
0x3: {  	_ = 	snop  }
0x4: {  	_ = 	snop  }
0x5: {  	_ = 	snop  }
0x6: {  	_ = 	snop  }
0x7: {  	_ = 	snop  }
__scs_overlays_trampoline_lowered:
0x8: {  	[smem:$0x3FAD] =	sst s0  }
0x9: {  	[smem:$0x3FAE] =	sst s1  }
0xa: {  	[smem:$0x3FAF] =	sst s2  }
0xb: {  	[smem:$0x3FB0] =	sst s3  }
0xc: {  	[smem:$0x3FB1] =	sst s4  }
0xd: {  	[smem:$0x3FB2] =	sst s5  }
0xe: {  	[smem:$0x3FB3] =	sst s6  }
0xf: {  	[smem:$0x3FB4] =	sst s7  }
0x10: {  	[smem:$0x3FB5] =	sst s8  }
0x11: {  	[smem:$0x3FB6] =	sst s9;
	s0 =	simm.s32 @!p0 $0x0  }
0x12: {  	s1 =	sld [smem:$0x3F9C];
	s0 =	simm.s32 @p0 $0x1  }
0x13: {  	[smem:$0x3FB7] =	sst s0;
	s0 =	simm.s32 @!p1 $0x0  }
0x14: {  	s2 =	sld [smem:$0x3F9B];
	s0 =	simm.s32 @p1 $0x1  }
0x15: {  	[smem:$0x3FB8] =	sst s0;
	s0 =	simm.s32 @!p2 $0x0  }
0x16: {  	s3 =	sld [smem:$0x3FDB];
	s0 =	simm.s32 @p2 $0x1  }
0x17: {  	s4 =	simm.s32 $0x1BF5;
	[smem:$0x3FBA] =	sst s0  }
0x18: {  	s0 =	sld [smem:$0x3F9D];
	_ =	swait.ge [sflag:s4], $0x0  }
0x19: {  	s7 =	sld [smem:$0x3F9E]  }
0x1a: {  	s8 =	sadd.s32 $0xFFFFE003, lr  }
0x1b: {  	s9 =	sadd.s32 $0xFFFFFEF7, lr;
	s5 =	simm.s32 $0xFFFFFFFF;
	p2 =	slt.u32 s8, $0xFFFFF086  }
0x1c: {  	p1 =	slt.u32 s9, $0xF7A;
	s5 =	simm.s32 @!p2 $0x0  }
0x1d: {  	s5 =	simm.s32 @p1 $0x1;
	p0 =	seq.s32 s7, s2  }
0x1e: {  	s7 =	smul.u32 @!p0 $0xF7A, s2;
	p2 =	seq.s32 @!p0 s5, $0x0  }
0x1f: {  	s9 =	smul.u32 $0xF7A, s1;
	s8 =	simm.s32 @!p0 $0x1BF5;
	p2 =	por !p2, p0  }
0x20: {  	[sflag:s8] =	ssyncset.s32 @!p0 $0xFFFFF086;
	s6 =	sadd.s32 @!p0 s3, s7;
	s7 =	simm.s32 @!p0 $0x108  }
0x21: {  	s3 =	sadd.s32 s3, s9;
	s6 =	sadd.s32 @!p0 $0x88, s6;
	s7 =	simm.s32 @p2 $0x1082  }
0x22: {  	[simem:s7], [sflag:s8] =	dma.local @!p0 [hbm:s6], $0xF7A  }
0x23: {  	s9 =	sor.u32 $0xD0000000, s2;
	s6 =	simm.s32 $0x108;
	_ =	swait.ge @!p0 [sflag:s8], $0x0  }
0x24: {  	s3 =	sadd.s32 $0x88, s3;
	s6 =	simm.s32 @!p1 $0x1082;
	[sflag:s4] =	ssyncset.s32 $0xFFFFF086  }
0x25: {  	[simem:s6], [sflag:s4] =	dma.local [hbm:s3], $0xF7A  }
0x26: {  	[smem:$0x3F9E] =	sst s1;
	(tag) =	ssettag s2;
	_ =	strace s9  }
0x27: {  	s1 =	sld [smem:$0x3FAE]  }
0x28: {  	s2 =	sld [smem:$0x3FAF]  }
0x29: {  	s4 =	sld [smem:$0x3FB1]  }
0x2a: {  	p0 =	seq.s32 s5, $0x0;
	s5 =	sld [smem:$0x3FB2]  }
0x2b: {  	s6 =	sld [smem:$0x3FB3]  }
0x2c: {  	s7 =	sld [smem:$0x3FB4]  }
0x2d: {  	s3 =	simm.s32 $0x108;
	s8 =	sld [smem:$0x3FB5]  }
0x2e: {  	s3 =	simm.s32 @!p0 $0x1082;
	s9 =	sld [smem:$0x3FB6]  }
0x2f: {  	lr =	sadd.s32 s0, s3;
	s0 =	sld [smem:$0x3FAD]  }
0x30: {  	s3 =	sld [smem:$0x3FB0]  }
0x31: {  	[smem:$0x3FB9] =	sst s10  }
0x32: {  	s10 =	sld [smem:$0x3FB7];
	_ =	sdelay $0x3  }
0x33: {  	p0 =	seq.s32 s10, $0x1;
	s10 =	sld [smem:$0x3FB9];
	_ =	sdelay $0x3  }
0x34: {  	[smem:$0x3FB9] =	sst s10  }
0x35: {  	s10 =	sld [smem:$0x3FB8];
	_ =	sdelay $0x3  }
0x36: {  	p1 =	seq.s32 s10, $0x1;
	s10 =	sld [smem:$0x3FB9];
	_ =	sdelay $0x3  }
0x37: {  	[smem:$0x3FB9] =	sst s10  }
0x38: {  	s10 =	sld [smem:$0x3FBA]  }
0x39: {  	_ = 	snop;
	(pc) =	sbr.ind lr, $3  }
0x3a: {  	_ = 	snop  }
0x3b: {  	_ = 	snop  }
0x3c: {  	p2 =	seq.s32 s10, $0x1;
	s10 =	sld [smem:$0x3FB9]  }
0x3d: {  	_ =	shalt  }
0x3e: {  	_ =	shalt  }
0x3f: {  	_ =	shalt  }
0x40: {  	_ =	shalt  }
0x41: {  	_ =	shalt  }
0x42: {  	_ =	shalt  }
0x43: {  	_ =	shalt  }
0x44: {  	_ =	shalt  }
0x45: {  	_ =	shalt  }
0x46: {  	_ =	shalt  }
0x47: {  	_ =	shalt  }
0x48: {  	_ =	shalt  }
0x49: {  	_ =	shalt  }
0x4a: {  	_ =	shalt  }
0x4b: {  	_ =	shalt  }
0x4c: {  	_ =	shalt  }
0x4d: {  	_ =	shalt  }
0x4e: {  	_ =	shalt  }
0x4f: {  	_ =	shalt  }
0x50: {  	_ =	shalt  }
0x51: {  	_ =	shalt  }
0x52: {  	_ =	shalt  }
0x53: {  	_ =	shalt  }
0x54: {  	_ =	shalt  }
0x55: {  	_ =	shalt  }
0x56: {  	_ =	shalt  }
0x57: {  	_ =	shalt  }
0x58: {  	_ =	shalt  }
0x59: {  	_ =	shalt  }
0x5a: {  	_ =	shalt  }
0x5b: {  	_ =	shalt  }
0x5c: {  	_ =	shalt  }
0x5d: {  	_ =	shalt  }
0x5e: {  	_ =	shalt  }
0x5f: {  	_ =	shalt  }
0x60: {  	_ =	shalt  }
0x61: {  	_ =	shalt  }
0x62: {  	_ =	shalt  }
0x63: {  	_ =	shalt  }
0x64: {  	_ =	shalt  }
0x65: {  	_ =	shalt  }
0x66: {  	_ =	shalt  }
0x67: {  	_ =	shalt  }
0x68: {  	_ =	shalt  }
0x69: {  	_ =	shalt  }
0x6a: {  	_ =	shalt  }
0x6b: {  	_ =	shalt  }
0x6c: {  	_ =	shalt  }
0x6d: {  	_ =	shalt  }
0x6e: {  	_ =	shalt  }
0x6f: {  	_ =	shalt  }
0x70: {  	_ =	shalt  }
0x71: {  	_ =	shalt  }
0x72: {  	_ =	shalt  }
0x73: {  	_ =	shalt  }
0x74: {  	_ =	shalt  }
0x75: {  	_ =	shalt  }
0x76: {  	_ =	shalt  }
0x77: {  	_ =	shalt  }
0x78: {  	_ =	shalt  }
0x79: {  	_ =	shalt  }
0x7a: {  	_ =	shalt  }
0x7b: {  	_ =	shalt  }
0x7c: {  	_ =	shalt  }
0x7d: {  	_ =	shalt  }
0x7e: {  	_ =	shalt  }
0x7f: {  	_ =	shalt  }
0x80: {  	_ =	shalt  }
0x81: {  	_ =	shalt  }
0x82: {  	_ =	shalt  }
0x83: {  	_ =	shalt  }
0x84: {  	_ =	shalt  }
0x85: {  	_ =	shalt  }
0x86: {  	_ =	shalt  }
0x87: {  	_ =	shalt  }
.Lfunc_end0:
.L_simem_size_0:
called_computation_lowered:
.L_overlay_start_0:
0x88: {  	s2 =	sld [smem:$0x3FD9]  }
0x89: {  	s3 =	sld [smem:$0x3FFE];
	_ =	sdelay $0x1  }
0x8a: {  	s1 =	srdreg.scid  }
0x8b: {  	s0 =	sand.u32 $0x1, s1  }
0x8c: {  	s17 =	sshll.u32 s0, $0xA;
	s2 =	sadd.s32 s3, s2  }
0x8d: {  	s2 =	sadd.s32 s2, s17  }
0x8e: {  	[smem:$0x3FC5] =	sst s2  }
0x8f: {  	_ = 	snop  }
0x90: {  	s2 =	sld [smem:$0x3FC9]  }
0x91: {  	s18 =	sld [smem:$0x3FC8]  }
0x92: {  	s4 =	sld [smem:$0x3FD0];
	(tm) =	ssettm $0x1  }
0x93: {  	s5 =	sld [smem:$0x3FFB];
	_ =	sdelay $0x3  }
0x94: {  	_ =	strace s5  }
0x95: {  	s5 =	sld [smem:$0x3FFC];
	_ =	sdelay $0x3  }
0x96: {  	_ =	strace s5  }
0x97: {  	s5 =	sld [smem:$0x3FFD];
	_ =	sdelay $0x3  }
0x98: {  	_ =	strace s5  }
0x99: {  	_ =	strace $0x8FFFFFFF  }
0x9a: {  	s19 =	sld [smem:$0x3FDB];
	_ =	sdelay $0x1  }
0x9b: {  	s6 =	simm.s32 $_scs_section_size  }
0x9c: {  	s7 =	simm.s32 $_size__tile_overlayer_lowered;
	s8 =	simm.s32 $_tile_overlayer_lowered  }
0x9d: {  	s22 =	simm.s32 $0x1BFF;
	s21 =	sshll.u32 s8, $0x1;
	s5 =	sadd.s32 s6, s19  }
0x9e: {  	s9 =	simm.s32 $0x0;
	s20 =	sshll.u32 s7, $0x1;
	s7 =	sadd.s32 s21, s5  }
0x9f: {  	[timem:s9], [sflag:s22] =	dma.local [hbm:s7], s20  }
0xa0: {  	_ =	swait.ge [sflag:s22], s20  }
0xa1: {  	s6 =	ssub.s32 $0x0, s20;
	[sflag:s22] =	ssyncset.done $0x0  }
0xa2: {  	[sflag:s22] =	ssyncadd.s32 s6;
	_ =	sdelay $0x1  }
0xa3: {  	s23 =	simm.s32 $0x1B8B  }
0xa4: {  	_ =	swait.ge [sflag:s23], $0x1  }
0xa5: {  	[sflag:s23] =	ssyncset.done $0x0  }
0xa6: {  	s25 =	simm.s32 $0x1B8E;
	s24 =	sld [smem:$0x3FFE];
	[sflag:s23] =	ssyncadd.s32 $0xFFFFFFFF  }
0xa7: {  	s26 =	simm.s32 $execute0_lowered;
	[smem:$0x3FD2] =	sst s25  }
0xa8: {  	s7 =	sshll.u32 s26, $0x1;
	_ =	strace $0x80000046;
	[dreg:$0x1] =	wrdreg $0xFFFFFFFF  }
0xa9: {  	s28 =	simm.s32 $_size_execute0_lowered;
	s5 =	sadd.s32 s5, s7;
	[dreg:$0x0] =	wrdreg $0x0  }
0xaa: {  	s7 =	sshll.u32 s28, $0x1;
	[dreg:$0x2] =	wrdreg s5  }
0xab: {  	[dreg:$0x3] =	wrdreg s7  }
0xac: {  	[dreg:$0x4] =	wrdreg $0xC0  }
0xad: {  	_ =	task [dreg:s9], $0x5FFFF  }
0xae: {  	[dreg:$0x1] =	wrdreg $0xFFFFFFFF  }
0xaf: {  	[dreg:$0x0] =	wrdreg $0x60  }
0xb0: {  	[dreg:$0x2] =	wrdreg s2  }
0xb1: {  	[dreg:$0x3] =	wrdreg s18  }
0xb2: {  	[dreg:$0x4] =	wrdreg s24  }
0xb3: {  	[dreg:$0x5] =	wrdreg s4  }
0xb4: {  	[dreg:$0x6] =	wrdreg $0x9  }
0xb5: {  	_ =	task.clear_ibuf [dreg:s9], $0x7FFFF;
	_ =	strace $0x90000046  }
0xb6: {  	s29 =	simm.s32 $0x9;
	_ =	strace $0x80000048  }
0xb7: {  	_ =	swait.ge [sflag:s29], $0x1  }
0xb8: {  	[sflag:s29] =	ssyncadd.s32 $0xFFFFFFFF  }
0xb9: {  	_ =	strace $0x90000048  }
0xba: {  	_ =	sfence  }
0xbb: {  	s30 =	sld [smem:$0x0];
	_ =	sdelay $0x2  }
0xbc: {  	s31 =	sshll.u32 s1, $0xD;
	s1 =	sshrl.u32 s1, $0x2  }
0xbd: {  	s3 =	sand.u32 $0x4000, s31;
	s1 =	sadd.s32 s1, s30  }
0xbe: {  	s0 =	sor.u32 s3, s0;
	s1 =	sshll.u32 s1, $0x11  }
0xbf: {  	s0 =	sor.u32 s1, s0  }
0xc0: {  	s0 =	sadd.s32 $0x8F2B, s0  }
0xc1: {  	[sflag:s0] =	ssyncadd.remote.s32 $0x1  }
0xc2: {  	_ =	sfence.sel $0xFFFF  }
0xc3: {  	[dreg:$0x0] =	wrdreg $0xFFFFFFFF;
	(pc) =	sbr.abs _section_cstart, $3  }
0xc4: {  	[dreg:$0x1] =	wrdreg $0xFFFFFFFF  }
0xc5: {  	_ =	task.clear_ibuf [dreg:s9], $0x2FFFF;
	_ =	strace $0x9FFFFFFF  }
0xc6: {  	(tm) =	ssettm $0x7FFFFFFF  }
0xc7: {  	_ =	shalt  }
tec
execute0_lowered:
.L_overlay_start_1:
0x0: {  	(tag) =	ssettag $0x1  }
0x1: {  	s4 =	rddreg [dreg:$0x0]  }
0x2: {  	s5 =	rddreg [dreg:$0x1];
	v0 =	vlaneseq.u32  }
0x3: {  	s3 =	rddreg [dreg:$0x2];
	v0 =	vmul.u32 $0x80, v0  }
0x4: {  	s6 =	rddreg [dreg:$0x3]  }
0x5: {  	s0 =	rddreg [dreg:$0x4];
	v1 =	vor.u32 $0x800, v0  }
0x6: {  	s1 =	simm.s32 $0x0;
	s7 =	srdreg.scid;
	s2 =	stileid.u32;
	v6 =	vor.u32 $0x3000, v0;
	v7 =	vor.u32 $0x3800, v0;
	v8 =	vor.u32 $0x4000, v0  }
0x7: {  	s11 =	simm.s32 $0x400;
	s12 =	simm.s32 $0x600;
	s13 =	simm.s32 $0x480;
	v9 =	vor.u32 $0x4800, v0;
	v10 =	vor.u32 $0x5000, v0;
	v11 =	vor.u32 $0x5800, v0  }
0x8: {  	s14 =	simm.s32 $0x4600;
	s15 =	simm.s32 $0x500;
	s16 =	simm.s32 $0x8600;
	v12 =	vor.u32 $0x6000, v0;
	v13 =	vor.u32 $0x6800, v0;
	v14 =	vor.u32 $0x7000, v0  }
0x9: {  	s17 =	simm.s32 $0x580;
	s18 =	simm.s32 $0xC600;
	s19 =	simm.s32 $0x10600;
	v15 =	vor.u32 $0x7800, v0;
	v17 =	vor.u32 $0x8800, v0;
	v18 =	vor.u32 $0x9000, v0  }
0xa: {  	s20 =	simm.s32 $0x2;
	[smem:$0x7FF] =	sst s1;
	s7 =	sand.u32 $0x1, s7;
	v19 =	vor.u32 $0x9800, v0;
	v20 =	vor.u32 $0xA000, v0;
	v21 =	vor.u32 $0xA800, v0  }
0xb: {  	s9 =	sshll.u32 s2, $0x7;
	s8 =	ssub.s32 $0x2, s7;
	s7 =	sshll.u32 s7, $0x6;
	v22 =	vor.u32 $0xB000, v0;
	v23 =	vor.u32 $0xB800, v0;
	[tilespmem:$0x1FFB0] =	vst v1;
	v1 =	vor.u32 $0x1000, v0  }
0xc: {  	s3 =	sadd.s32 $0x400, s3;
	s10 =	sshrl.u32 s8, $0x1;
	s7 =	sor.u32 s7, s9;
	v24 =	vor.u32 $0xC000, v0;
	v25 =	vor.u32 $0xC800, v0;
	[tilespmem:$0x1FFC0] =	vst v1;
	v1 =	vor.u32 $0x1800, v0  }
0xd: {  	s9 =	simm.s32 $0x1;
	v26 =	vor.u32 $0xD000, v0;
	v27 =	vor.u32 $0xD800, v0;
	s8 =	ssub.s32 s8, s10;
	s4 =	sadd.s32 s4, s7;
	[tilespmem:$0x1FFD0] =	vst v1;
	v1 =	vor.u32 $0x2000, v0  }
0xe: {  	v28 =	vor.u32 $0xE000, v0;
	v29 =	vor.u32 $0xE800, v0;
	s5 =	sadd.s32 s5, s7;
	s6 =	sadd.s32 s6, s7;
	s10 =	simm.s32 $0x80;
	[tilespmem:$0x1FFE0] =	vst v1;
	v1 =	vor.u32 $0x2800, v0  }
0xf: {  	v16 =	vor.u32 $0x8000, v0;
	v30 =	vor.u32 $0xF000, v0;
	v31 =	vor.u32 $0xF800, v0;
	s7 =	smax.u32 s8, $0x1;
	s8 =	simm.s32 $0x200;
	_ =	strace $0x80000047;
	[tilespmem:$0x1FFF0] =	vst v1  }
.LBB2_1:
0x10: {  	[tilespmem:s1], [sflag:$0x1] =	stream.linear.gather [hbm4b:s4+s1], $0x200, $0x38;
	[tilespmem:$0x10800] =	vst v63  }
0x11: {  	_ = 	snop  }
0x12: {  	[tilespmem:s8], [sflag:$0x1] =	stream.linear.gather [hbm4b:s5+s1], $0x200, $0x38;
	[tilespmem:$0x10800] =	vst v63  }
0x13: {  	_ =	swait.ge [sflag:s9], $0x200  }
0x14: {  	[sflag:s9] =	ssyncset.done $0x0  }
0x15: {  	[sflag:s9] =	ssyncadd.s32 $0xFFFFFE00  }
0x16: {  	_ =	swait.ge [sflag:s9], $0x200  }
0x17: {  	[sflag:s9] =	ssyncset.done $0x0  }
0x18: {  	[sflag:s9] =	ssyncadd.s32 $0xFFFFFE00  }
0x19: {  	v32 =	vld [tilespmem:$0x0]  }
0x1a: {  	v33 =	vld [tilespmem:$0x200]  }
0x1b: {  	v34 =	vld [tilespmem:$0x10]  }
0x1c: {  	v35 =	vld [tilespmem:$0x210]  }
0x1d: {  	v36 =	vld [tilespmem:$0x20]  }
0x1e: {  	v37 =	vld [tilespmem:$0x220]  }
0x1f: {  	v38 =	vld [tilespmem:$0x30]  }
0x20: {  	v39 =	vld [tilespmem:$0x230]  }
0x21: {  	v40 =	vld [tilespmem:$0x40]  }
0x22: {  	v41 =	vld [tilespmem:$0x240]  }
0x23: {  	v42 =	vld [tilespmem:$0x50]  }
0x24: {  	v43 =	vld [tilespmem:$0x250]  }
0x25: {  	v44 =	vld [tilespmem:$0x60]  }
0x26: {  	v45 =	vld [tilespmem:$0x260]  }
0x27: {  	v46 =	vld [tilespmem:$0x70]  }
0x28: {  	v47 =	vld [tilespmem:$0x270]  }
0x29: {  	v48 =	vld [tilespmem:$0x80]  }
0x2a: {  	v49 =	vld [tilespmem:$0x280]  }
0x2b: {  	v50 =	vld [tilespmem:$0x90]  }
0x2c: {  	v51 =	vld [tilespmem:$0x290]  }
0x2d: {  	v52 =	vld [tilespmem:$0xA0]  }
0x2e: {  	v53 =	vld [tilespmem:$0x2A0]  }
0x2f: {  	v54 =	vld [tilespmem:$0xB0]  }
0x30: {  	v55 =	vld [tilespmem:$0x2B0]  }
0x31: {  	v56 =	vld [tilespmem:$0xC0]  }
0x32: {  	v57 =	vld [tilespmem:$0x2C0]  }
0x33: {  	v58 =	vld [tilespmem:$0xD0]  }
0x34: {  	v59 =	vld [tilespmem:$0x2D0]  }
0x35: {  	v60 =	vld [tilespmem:$0xE0]  }
0x36: {  	v61 =	vld [tilespmem:$0x2E0]  }
0x37: {  	v1 =	vld [tilespmem:$0x100]  }
0x38: {  	v3 =	vld [tilespmem:$0x110]  }
0x39: {  	v2 =	vld [tilespmem:$0x300]  }
0x3a: {  	v5 =	vld [tilespmem:$0x120]  }
0x3b: {  	v4 =	vld [tilespmem:$0x310];
	v32 =	vmul.u32 $0x2710, v32  }
0x3c: {  	v62 =	vld [tilespmem:$0xF0];
	v34 =	vmul.u32 $0x2710, v34;
	v54 =	vmul.u32 $0x2710, v54  }
0x3d: {  	v63 =	vld [tilespmem:$0x2F0];
	v1 =	vmul.u32 $0x2710, v1;
	v3 =	vmul.u32 $0x2710, v3;
	v32 =	vadd.s32 v33, v32  }
0x3e: {  	v33 =	vmul.u32 $0x2710, v36;
	v36 =	vld [tilespmem:$0x320];
	v34 =	vadd.s32 v35, v34;
	v35 =	vmul.u32 $0x2710, v38  }
0x3f: {  	v38 =	vld [tilespmem:$0x130];
	v1 =	vadd.s32 v2, v1;
	v2 =	vmul.u32 $0x2710, v5;
	v32 =	vshrl.u32 v32, $0x7  }
0x40: {  	v5 =	vld [tilespmem:$0x3A0];
	v3 =	vadd.s32 v4, v3;
	v1 =	vshrl.u32 v1, $0x7;
	[tilespmem:$0x400] =	vst v32;
	v32 =	vshrl.u32 v34, $0x7  }
0x41: {  	v33 =	vadd.s32 v37, v33;
	v34 =	vmul.u32 $0x2710, v40;
	v37 =	vld [tilespmem:$0x330];
	[tilespmem:$0x500] =	vst v1;
	v1 =	vshrl.u32 v3, $0x7  }
0x42: {  	v40 =	vld [tilespmem:$0x340];
	[tilespmem:$0x410] =	vst v32;
	v32 =	vshrl.u32 v33, $0x7;
	v33 =	vadd.s32 v39, v35;
	v35 =	vmul.u32 $0x2710, v42  }
0x43: {  	v39 =	vld [tilespmem:$0x140];
	[tilespmem:$0x420] =	vst v32;
	v32 =	vshrl.u32 v33, $0x7;
	v33 =	vadd.s32 v41, v34;
	v34 =	vmul.u32 $0x2710, v44  }
0x44: {  	v42 =	vld [tilespmem:$0x350];
	[tilespmem:$0x430] =	vst v32;
	v32 =	vshrl.u32 v33, $0x7;
	v44 =	vadd.s32 v43, v35;
	v35 =	vmul.u32 $0x2710, v46  }
0x45: {  	v41 =	vld [tilespmem:$0x150];
	v4 =	vmul.u32 $0x2710, v38;
	v2 =	vadd.s32 v36, v2;
	[tilespmem:$0x440] =	vst v32;
	v32 =	vshrl.u32 v44, $0x7  }
0x46: {  	[tilespmem:$0x510] =	vst v1;
	v43 =	vld [tilespmem:$0x160];
	v46 =	vadd.s32 v45, v34;
	v45 =	vmul.u32 $0x2710, v48;
	v1 =	vshrl.u32 v2, $0x7  }
0x47: {  	v44 =	vld [tilespmem:$0x360];
	v46 =	vshrl.u32 v46, $0x7;
	v48 =	vadd.s32 v47, v35;
	v35 =	vmul.u32 $0x2710, v50;
	[tilespmem:$0x520] =	vst v1  }
0x48: {  	v47 =	vld [tilespmem:$0x180];
	v2 =	vadd.s32 v37, v4;
	[tilespmem:$0x460] =	vst v46;
	v50 =	vshrl.u32 v48, $0x7;
	v48 =	vadd.s32 v49, v45  }
0x49: {  	v49 =	vmul.u32 $0x2710, v52;
	v45 =	vld [tilespmem:$0x170];
	[tilespmem:$0x470] =	vst v50;
	v50 =	vshrl.u32 v48, $0x7;
	v52 =	vadd.s32 v51, v35  }
0x4a: {  	v46 =	vld [tilespmem:$0x370];
	v3 =	vmul.u32 $0x2710, v39;
	v1 =	vshrl.u32 v2, $0x7;
	[tilespmem:$0x480] =	vst v50;
	v48 =	vshrl.u32 v52, $0x7  }
0x4b: {  	v4 =	vmul.u32 $0x2710, v41;
	v49 =	vadd.s32 v53, v49;
	v50 =	vmul.u32 $0x2710, v56;
	[tilespmem:$0x490] =	vst v48;
	v48 =	vld [tilespmem:$0x380]  }
0x4c: {  	[tilespmem:$0x450] =	vst v32;
	v52 =	vadd.s32 v55, v54;
	v53 =	vmul.u32 $0x2710, v58;
	v51 =	vshrl.u32 v49, $0x7;
	v49 =	vld [tilespmem:$0x190]  }
0x4d: {  	[tilespmem:$0x530] =	vst v1;
	v56 =	vmul.u32 $0x2710, v60;
	v2 =	vadd.s32 v40, v3;
	v55 =	vadd.s32 v57, v50;
	v50 =	vld [tilespmem:$0x390]  }
0x4e: {  	v54 =	vshrl.u32 v52, $0x7;
	v1 =	vshrl.u32 v2, $0x7;
	[tilespmem:$0x4A0] =	vst v51;
	v58 =	vadd.s32 v59, v53;
	v53 =	vld [tilespmem:$0x1A0]  }
0x4f: {  	v2 =	vadd.s32 v42, v4;
	[tilespmem:$0x4B0] =	vst v54;
	v59 =	vmul.u32 $0x2710, v62;
	v62 =	vadd.s32 v61, v56;
	v56 =	vld [tilespmem:$0x3B0]  }
0x50: {  	[tilespmem:$0x540] =	vst v1;
	v1 =	vshrl.u32 v2, $0x7;
	v61 =	vld [tilespmem:$0x1E0]  }
0x51: {  	v3 =	vmul.u32 $0x2710, v43;
	v57 =	vshrl.u32 v55, $0x7;
	v55 =	vld [tilespmem:$0x1B0];
	[tilespmem:$0x550] =	vst v1  }
0x52: {  	v60 =	vshrl.u32 v58, $0x7;
	v58 =	vld [tilespmem:$0x3C0];
	[tilespmem:$0x4C0] =	vst v57  }
0x53: {  	v2 =	vadd.s32 v44, v3;
	v51 =	vshrl.u32 v62, $0x7;
	v4 =	vmul.u32 $0x2710, v45;
	[tilespmem:$0x4D0] =	vst v60;
	v57 =	vld [tilespmem:$0x1C0]  }
0x54: {  	v3 =	vmul.u32 $0x2710, v47;
	v1 =	vshrl.u32 v2, $0x7;
	v52 =	vadd.s32 v63, v59;
	[tilespmem:$0x4E0] =	vst v51;
	v59 =	vld [tilespmem:$0x1D0]  }
0x55: {  	v62 =	vld [tilespmem:$0x1F0];
	[tilespmem:$0x560] =	vst v1;
	v54 =	vshrl.u32 v52, $0x7;
	v2 =	vadd.s32 v46, v4;
	v4 =	vmul.u32 $0x2710, v49  }
0x56: {  	v60 =	vld [tilespmem:$0x3D0];
	[tilespmem:$0x4F0] =	vst v54;
	v1 =	vshrl.u32 v2, $0x7;
	v2 =	vadd.s32 v48, v3;
	v3 =	vmul.u32 $0x2710, v53  }
0x57: {  	v63 =	vld [tilespmem:$0x3E0];
	[tilespmem:$0x570] =	vst v1;
	v1 =	vshrl.u32 v2, $0x7;
	v2 =	vadd.s32 v50, v4;
	v4 =	vmul.u32 $0x2710, v55  }
0x58: {  	[tilespmem:$0x580] =	vst v1;
	v1 =	vshrl.u32 v2, $0x7;
	v2 =	vadd.s32 v5, v3;
	v3 =	vmul.u32 $0x2710, v57;
	v5 =	vld [tilespmem:$0x3F0]  }
0x59: {  	[tilespmem:$0x590] =	vst v1;
	v1 =	vadd.s32 v56, v4;
	v2 =	vshrl.u32 v2, $0x7;
	v4 =	vmul.u32 $0x2710, v59  }
0x5a: {  	[tilespmem:$0x5A0] =	vst v2;
	v2 =	vadd.s32 v58, v3;
	v1 =	vshrl.u32 v1, $0x7;
	v3 =	vmul.u32 $0x2710, v61  }
0x5b: {  	[tilespmem:$0x5B0] =	vst v1;
	v1 =	vadd.s32 v60, v4;
	v2 =	vshrl.u32 v2, $0x7;
	v4 =	vmul.u32 $0x2710, v62  }
0x5c: {  	[tilespmem:$0x5C0] =	vst v2;
	v2 =	vadd.s32 v63, v3;
	v1 =	vshrl.u32 v1, $0x7  }
0x5d: {  	[tilespmem:$0x5D0] =	vst v1;
	v1 =	vshrl.u32 v2, $0x7;
	v2 =	vadd.s32 v5, v4  }
0x5e: {  	[tilespmem:$0x5E0] =	vst v1;
	v1 =	vshrl.u32 v2, $0x7  }
0x5f: {  	[tilespmem:$0x5F0] =	vst v1  }
0x60: {  	[tilespmem:s12], [sflag:$0x1] =	stream.indirect.gather [hbm4b:s3+s10], $0x80, s11, s10, $0xb8;
	[tilespmem:$0x10800] =	vst v63  }
0x61: {  	_ = 	snop  }
0x62: {  	[tilespmem:s14], [sflag:$0x1] =	stream.indirect.gather [hbm4b:s3+s10], $0x80, s13, s10, $0xb8;
	[tilespmem:$0x10800] =	vst v63  }
0x63: {  	_ = 	snop  }
0x64: {  	[tilespmem:s16], [sflag:$0x1] =	stream.indirect.gather [hbm4b:s3+s10], $0x80, s15, s10, $0xb8;
	[tilespmem:$0x10800] =	vst v63  }
0x65: {  	_ = 	snop  }
0x66: {  	[tilespmem:s18], [sflag:$0x1] =	stream.indirect.gather [hbm4b:s3+s10], $0x80, s17, s10, $0xb8;
	[tilespmem:$0x10800] =	vst v63  }
0x67: {  	_ =	swait.ge [sflag:s9], $0x4000  }
0x68: {  	[sflag:s9] =	ssyncset.done $0x0  }
0x69: {  	[sflag:s9] =	ssyncadd.s32 $0xFFFFC000  }
0x6a: {  	_ =	swait.ge [sflag:s9], $0x4000  }
0x6b: {  	[sflag:s9] =	ssyncset.done $0x0  }
0x6c: {  	[sflag:s9] =	ssyncadd.s32 $0xFFFFC000  }
0x6d: {  	_ =	swait.ge [sflag:s9], $0x4000  }
0x6e: {  	[sflag:s9] =	ssyncset.done $0x0  }
0x6f: {  	[sflag:s9] =	ssyncadd.s32 $0xFFFFC000  }
0x70: {  	_ =	swait.ge [sflag:s9], $0x4000  }
0x71: {  	[sflag:s9] =	ssyncset.done $0x0  }
0x72: {  	[sflag:s9] =	ssyncadd.s32 $0xFFFFC000  }
0x73: {  	v1 =	vld [tilespmem:$0x0]  }
0x74: {  	v2 =	vld [tilespmem:$0x200];
	_ =	sdelay $0x3  }
0x75: {  	v1 =	vshll.u32 v1, $0x4  }
0x76: {  	v1 =	vadd.s32 v2, v1  }
0x77: {  	v1 =	vand.u32 $0x7F, v1  }
0x78: {  	v1 =	vor.u32 v0, v1;
	_ =	sdelay $0x4  }
0x79: {  	v1 =	vld.idx.msk [tilespmem:v1+s12+$0x0], $0xffff;
	_ =	sdelay $0x4  }
0x7a: {  	v1 =	vsub.f32 $0.0e+00, v1;
	_ =	sdelay $0x1  }
0x7b: {  	v1 =	vmul.f32 $1.442695020e+00, v1;
	_ =	sdelay $0x1  }
0x7c: {  	(erf) = vpow2.f32 v1;
	_ =	sdelay $0x7  }
0x7d: {  	v2 =	vld [tilespmem:$0x10]  }
0x7e: {  	v1 =	vpop (erf)  }
0x7f: {  	v1 =	vadd.f32 $1.000000000e+00, v1  }
0x80: {  	v3 =	vld [tilespmem:$0x210]  }
0x81: {  	(erf) = vrcp.f32 v1  }
0x82: {  	v1 =	vshll.u32 v2, $0x4;
	v2 =	vld [tilespmem:$0x1FFB0];
	_ =	sdelay $0x2  }
0x83: {  	v1 =	vadd.s32 v3, v1  }
0x84: {  	v1 =	vand.u32 $0x7F, v1  }
0x85: {  	v1 =	vor.u32 v2, v1;
	_ =	sdelay $0x2  }
0x86: {  	v2 =	vpop (erf)  }
0x87: {  	[tilespmem:$0x10600] =	vst v2  }
0x88: {  	v1 =	vld.idx.msk [tilespmem:v1+s12+$0x0], $0xffff;
	_ =	sdelay $0x4  }
0x89: {  	v1 =	vsub.f32 $0.0e+00, v1;
	_ =	sdelay $0x1  }
0x8a: {  	v1 =	vmul.f32 $1.442695020e+00, v1;
	_ =	sdelay $0x1  }
0x8b: {  	(erf) = vpow2.f32 v1;
	_ =	sdelay $0x7  }
0x8c: {  	v2 =	vld [tilespmem:$0x20]  }
0x8d: {  	v1 =	vpop (erf)  }
0x8e: {  	v1 =	vadd.f32 $1.000000000e+00, v1  }
0x8f: {  	v3 =	vld [tilespmem:$0x220]  }
0x90: {  	(erf) = vrcp.f32 v1  }
0x91: {  	v1 =	vshll.u32 v2, $0x4;
	v2 =	vld [tilespmem:$0x1FFC0];
	_ =	sdelay $0x2  }
0x92: {  	v1 =	vadd.s32 v3, v1  }
0x93: {  	v1 =	vand.u32 $0x7F, v1  }
0x94: {  	v1 =	vor.u32 v2, v1;
	_ =	sdelay $0x2  }
0x95: {  	v2 =	vpop (erf)  }
0x96: {  	[tilespmem:$0x10610] =	vst v2  }
0x97: {  	v1 =	vld.idx.msk [tilespmem:v1+s12+$0x0], $0xffff;
	_ =	sdelay $0x4  }
0x98: {  	v1 =	vsub.f32 $0.0e+00, v1;
	_ =	sdelay $0x1  }
0x99: {  	v1 =	vmul.f32 $1.442695020e+00, v1;
	_ =	sdelay $0x1  }
0x9a: {  	(erf) = vpow2.f32 v1;
	_ =	sdelay $0x7  }
0x9b: {  	v2 =	vld [tilespmem:$0x30]  }
0x9c: {  	v1 =	vpop (erf)  }
0x9d: {  	v1 =	vadd.f32 $1.000000000e+00, v1  }
0x9e: {  	v3 =	vld [tilespmem:$0x230]  }
0x9f: {  	(erf) = vrcp.f32 v1  }
0xa0: {  	v1 =	vshll.u32 v2, $0x4;
	v2 =	vld [tilespmem:$0x1FFD0];
	_ =	sdelay $0x2  }
0xa1: {  	v1 =	vadd.s32 v3, v1  }
0xa2: {  	v1 =	vand.u32 $0x7F, v1  }
0xa3: {  	v1 =	vor.u32 v2, v1;
	_ =	sdelay $0x2  }
0xa4: {  	v2 =	vpop (erf)  }
0xa5: {  	[tilespmem:$0x10620] =	vst v2  }
0xa6: {  	v1 =	vld.idx.msk [tilespmem:v1+s12+$0x0], $0xffff;
	_ =	sdelay $0x4  }
0xa7: {  	v1 =	vsub.f32 $0.0e+00, v1;
	_ =	sdelay $0x1  }
0xa8: {  	v1 =	vmul.f32 $1.442695020e+00, v1;
	_ =	sdelay $0x1  }
0xa9: {  	(erf) = vpow2.f32 v1;
	_ =	sdelay $0x7  }
0xaa: {  	v2 =	vld [tilespmem:$0x40]  }
0xab: {  	v1 =	vpop (erf)  }
0xac: {  	v1 =	vadd.f32 $1.000000000e+00, v1  }
0xad: {  	v3 =	vld [tilespmem:$0x240]  }
0xae: {  	(erf) = vrcp.f32 v1  }
0xaf: {  	v1 =	vshll.u32 v2, $0x4;
	v2 =	vld [tilespmem:$0x1FFE0];
	_ =	sdelay $0x2  }
0xb0: {  	v1 =	vadd.s32 v3, v1  }
0xb1: {  	v1 =	vand.u32 $0x7F, v1  }
0xb2: {  	v1 =	vor.u32 v2, v1;
	_ =	sdelay $0x2  }
0xb3: {  	v2 =	vpop (erf)  }
0xb4: {  	[tilespmem:$0x10630] =	vst v2  }
0xb5: {  	v1 =	vld.idx.msk [tilespmem:v1+s12+$0x0], $0xffff;
	_ =	sdelay $0x4  }
0xb6: {  	v1 =	vsub.f32 $0.0e+00, v1;
	_ =	sdelay $0x1  }
0xb7: {  	v1 =	vmul.f32 $1.442695020e+00, v1;
	_ =	sdelay $0x1  }
0xb8: {  	(erf) = vpow2.f32 v1;
	_ =	sdelay $0x7  }
0xb9: {  	v2 =	vld [tilespmem:$0x50]  }
0xba: {  	v1 =	vpop (erf)  }
0xbb: {  	v1 =	vadd.f32 $1.000000000e+00, v1  }
0xbc: {  	v3 =	vld [tilespmem:$0x250]  }
0xbd: {  	(erf) = vrcp.f32 v1  }
0xbe: {  	v1 =	vshll.u32 v2, $0x4;
	v2 =	vld [tilespmem:$0x1FFF0];
	_ =	sdelay $0x2  }
0xbf: {  	v1 =	vadd.s32 v3, v1  }
0xc0: {  	v1 =	vand.u32 $0x7F, v1  }
0xc1: {  	v1 =	vor.u32 v2, v1;
	_ =	sdelay $0x2  }
0xc2: {  	v2 =	vpop (erf)  }
0xc3: {  	[tilespmem:$0x10640] =	vst v2  }
0xc4: {  	v1 =	vld.idx.msk [tilespmem:v1+s12+$0x0], $0xffff;
	_ =	sdelay $0x4  }
0xc5: {  	v1 =	vsub.f32 $0.0e+00, v1;
	_ =	sdelay $0x1  }
0xc6: {  	v1 =	vmul.f32 $1.442695020e+00, v1;
	_ =	sdelay $0x1  }
0xc7: {  	(erf) = vpow2.f32 v1;
	_ =	sdelay $0x8  }
0xc8: {  	v1 =	vpop (erf)  }
0xc9: {  	v2 =	vld [tilespmem:$0x60];
	v1 =	vadd.f32 $1.000000000e+00, v1  }
0xca: {  	v3 =	vld [tilespmem:$0x260]  }
0xcb: {  	(erf) = vrcp.f32 v1;
	_ =	sdelay $0x2  }
0xcc: {  	v1 =	vshll.u32 v2, $0x4  }
0xcd: {  	v1 =	vadd.s32 v3, v1  }
0xce: {  	v1 =	vand.u32 $0x7F, v1  }
0xcf: {  	v1 =	vor.u32 v6, v1;
	_ =	sdelay $0x2  }
0xd0: {  	v2 =	vpop (erf)  }
0xd1: {  	[tilespmem:$0x10650] =	vst v2  }
0xd2: {  	v1 =	vld.idx.msk [tilespmem:v1+s12+$0x0], $0xffff;
	_ =	sdelay $0x4  }
0xd3: {  	v1 =	vsub.f32 $0.0e+00, v1;
	_ =	sdelay $0x1  }
0xd4: {  	v1 =	vmul.f32 $1.442695020e+00, v1;
	_ =	sdelay $0x1  }
0xd5: {  	(erf) = vpow2.f32 v1;
	_ =	sdelay $0x8  }
0xd6: {  	v1 =	vpop (erf)  }
0xd7: {  	v2 =	vld [tilespmem:$0x70];
	v1 =	vadd.f32 $1.000000000e+00, v1  }
0xd8: {  	v3 =	vld [tilespmem:$0x270]  }
0xd9: {  	(erf) = vrcp.f32 v1;
	_ =	sdelay $0x2  }
0xda: {  	v1 =	vshll.u32 v2, $0x4  }
0xdb: {  	v1 =	vadd.s32 v3, v1  }
0xdc: {  	v1 =	vand.u32 $0x7F, v1  }
0xdd: {  	v1 =	vor.u32 v7, v1;
	_ =	sdelay $0x2  }
0xde: {  	v2 =	vpop (erf)  }
0xdf: {  	[tilespmem:$0x10660] =	vst v2  }
0xe0: {  	v1 =	vld.idx.msk [tilespmem:v1+s12+$0x0], $0xffff;
	_ =	sdelay $0x4  }
0xe1: {  	v1 =	vsub.f32 $0.0e+00, v1;
	_ =	sdelay $0x1  }
0xe2: {  	v1 =	vmul.f32 $1.442695020e+00, v1;
	_ =	sdelay $0x1  }
0xe3: {  	(erf) = vpow2.f32 v1;
	_ =	sdelay $0x8  }
0xe4: {  	v1 =	vpop (erf)  }
0xe5: {  	v2 =	vld [tilespmem:$0x80];
	v1 =	vadd.f32 $1.000000000e+00, v1  }
0xe6: {  	v3 =	vld [tilespmem:$0x280]  }
0xe7: {  	(erf) = vrcp.f32 v1;
	_ =	sdelay $0x2  }
0xe8: {  	v1 =	vshll.u32 v2, $0x4  }
0xe9: {  	v1 =	vadd.s32 v3, v1  }
0xea: {  	v1 =	vand.u32 $0x7F, v1  }
0xeb: {  	v1 =	vor.u32 v8, v1;
	_ =	sdelay $0x2  }
0xec: {  	v2 =	vpop (erf)  }
0xed: {  	[tilespmem:$0x10670] =	vst v2  }
0xee: {  	v1 =	vld.idx.msk [tilespmem:v1+s12+$0x0], $0xffff;
	_ =	sdelay $0x4  }
0xef: {  	v1 =	vsub.f32 $0.0e+00, v1;
	_ =	sdelay $0x1  }
0xf0: {  	v1 =	vmul.f32 $1.442695020e+00, v1;
	_ =	sdelay $0x1  }
0xf1: {  	(erf) = vpow2.f32 v1;
	_ =	sdelay $0x8  }
0xf2: {  	v1 =	vpop (erf)  }
0xf3: {  	v2 =	vld [tilespmem:$0x90];
	v1 =	vadd.f32 $1.000000000e+00, v1  }
0xf4: {  	v3 =	vld [tilespmem:$0x290]  }
0xf5: {  	(erf) = vrcp.f32 v1;
	_ =	sdelay $0x2  }
0xf6: {  	v1 =	vshll.u32 v2, $0x4  }
0xf7: {  	v1 =	vadd.s32 v3, v1  }
0xf8: {  	v1 =	vand.u32 $0x7F, v1  }
0xf9: {  	v1 =	vor.u32 v9, v1;
	_ =	sdelay $0x2  }
0xfa: {  	v2 =	vpop (erf)  }
0xfb: {  	[tilespmem:$0x10680] =	vst v2  }
0xfc: {  	v1 =	vld.idx.msk [tilespmem:v1+s12+$0x0], $0xffff;
	_ =	sdelay $0x4  }
0xfd: {  	v1 =	vsub.f32 $0.0e+00, v1;
	_ =	sdelay $0x1  }
0xfe: {  	v1 =	vmul.f32 $1.442695020e+00, v1;
	_ =	sdelay $0x1  }
0xff: {  	(erf) = vpow2.f32 v1;
	_ =	sdelay $0x8  }
0x100: {  	v1 =	vpop (erf)  }
0x101: {  	v2 =	vld [tilespmem:$0xA0];
	v1 =	vadd.f32 $1.000000000e+00, v1  }
0x102: {  	v3 =	vld [tilespmem:$0x2A0]  }
0x103: {  	(erf) = vrcp.f32 v1;
	_ =	sdelay $0x2  }
0x104: {  	v1 =	vshll.u32 v2, $0x4  }
0x105: {  	v1 =	vadd.s32 v3, v1  }
0x106: {  	v1 =	vand.u32 $0x7F, v1  }
0x107: {  	v1 =	vor.u32 v10, v1;
	_ =	sdelay $0x2  }
0x108: {  	v2 =	vpop (erf)  }
0x109: {  	[tilespmem:$0x10690] =	vst v2  }
0x10a: {  	v1 =	vld.idx.msk [tilespmem:v1+s12+$0x0], $0xffff;
	_ =	sdelay $0x4  }
0x10b: {  	v1 =	vsub.f32 $0.0e+00, v1;
	_ =	sdelay $0x1  }
0x10c: {  	v1 =	vmul.f32 $1.442695020e+00, v1;
	_ =	sdelay $0x1  }
0x10d: {  	(erf) = vpow2.f32 v1;
	_ =	sdelay $0x8  }
0x10e: {  	v1 =	vpop (erf)  }
0x10f: {  	v2 =	vld [tilespmem:$0xB0];
	v1 =	vadd.f32 $1.000000000e+00, v1  }
0x110: {  	v3 =	vld [tilespmem:$0x2B0]  }
0x111: {  	(erf) = vrcp.f32 v1;
	_ =	sdelay $0x2  }
0x112: {  	v1 =	vshll.u32 v2, $0x4  }
0x113: {  	v1 =	vadd.s32 v3, v1  }
0x114: {  	v1 =	vand.u32 $0x7F, v1  }
0x115: {  	v1 =	vor.u32 v11, v1;
	_ =	sdelay $0x2  }
0x116: {  	v2 =	vpop (erf)  }
0x117: {  	[tilespmem:$0x106A0] =	vst v2  }
0x118: {  	v1 =	vld.idx.msk [tilespmem:v1+s12+$0x0], $0xffff;
	_ =	sdelay $0x4  }
0x119: {  	v1 =	vsub.f32 $0.0e+00, v1;
	_ =	sdelay $0x1  }
0x11a: {  	v1 =	vmul.f32 $1.442695020e+00, v1;
	_ =	sdelay $0x1  }
0x11b: {  	(erf) = vpow2.f32 v1;
	_ =	sdelay $0x8  }
0x11c: {  	v1 =	vpop (erf)  }
0x11d: {  	v2 =	vld [tilespmem:$0xC0];
	v1 =	vadd.f32 $1.000000000e+00, v1  }
0x11e: {  	v3 =	vld [tilespmem:$0x2C0]  }
0x11f: {  	(erf) = vrcp.f32 v1;
	_ =	sdelay $0x2  }
0x120: {  	v1 =	vshll.u32 v2, $0x4  }
0x121: {  	v1 =	vadd.s32 v3, v1  }
0x122: {  	v1 =	vand.u32 $0x7F, v1  }
0x123: {  	v1 =	vor.u32 v12, v1;
	_ =	sdelay $0x2  }
0x124: {  	v2 =	vpop (erf)  }
0x125: {  	[tilespmem:$0x106B0] =	vst v2  }
0x126: {  	v1 =	vld.idx.msk [tilespmem:v1+s12+$0x0], $0xffff;
	_ =	sdelay $0x4  }
0x127: {  	v1 =	vsub.f32 $0.0e+00, v1;
	_ =	sdelay $0x1  }
0x128: {  	v1 =	vmul.f32 $1.442695020e+00, v1;
	_ =	sdelay $0x1  }
0x129: {  	(erf) = vpow2.f32 v1;
	_ =	sdelay $0x8  }
0x12a: {  	v1 =	vpop (erf)  }
0x12b: {  	v2 =	vld [tilespmem:$0xD0];
	v1 =	vadd.f32 $1.000000000e+00, v1  }
0x12c: {  	v3 =	vld [tilespmem:$0x2D0]  }
0x12d: {  	(erf) = vrcp.f32 v1;
	_ =	sdelay $0x2  }
0x12e: {  	v1 =	vshll.u32 v2, $0x4  }
0x12f: {  	v1 =	vadd.s32 v3, v1  }
0x130: {  	v1 =	vand.u32 $0x7F, v1  }
0x131: {  	v1 =	vor.u32 v13, v1;
	_ =	sdelay $0x2  }
0x132: {  	v2 =	vpop (erf)  }
0x133: {  	[tilespmem:$0x106C0] =	vst v2  }
0x134: {  	v1 =	vld.idx.msk [tilespmem:v1+s12+$0x0], $0xffff;
	_ =	sdelay $0x4  }
0x135: {  	v1 =	vsub.f32 $0.0e+00, v1;
	_ =	sdelay $0x1  }
0x136: {  	v1 =	vmul.f32 $1.442695020e+00, v1;
	_ =	sdelay $0x1  }
0x137: {  	(erf) = vpow2.f32 v1;
	_ =	sdelay $0x8  }
0x138: {  	v1 =	vpop (erf)  }
0x139: {  	v2 =	vld [tilespmem:$0xE0];
	v1 =	vadd.f32 $1.000000000e+00, v1  }
0x13a: {  	v3 =	vld [tilespmem:$0x2E0]  }
0x13b: {  	(erf) = vrcp.f32 v1;
	_ =	sdelay $0x2  }
0x13c: {  	v1 =	vshll.u32 v2, $0x4  }
0x13d: {  	v1 =	vadd.s32 v3, v1  }
0x13e: {  	v1 =	vand.u32 $0x7F, v1  }
0x13f: {  	v1 =	vor.u32 v14, v1;
	_ =	sdelay $0x2  }
0x140: {  	v2 =	vpop (erf)  }
0x141: {  	[tilespmem:$0x106D0] =	vst v2  }
0x142: {  	v1 =	vld.idx.msk [tilespmem:v1+s12+$0x0], $0xffff;
	_ =	sdelay $0x4  }
0x143: {  	v1 =	vsub.f32 $0.0e+00, v1;
	_ =	sdelay $0x1  }
0x144: {  	v1 =	vmul.f32 $1.442695020e+00, v1;
	_ =	sdelay $0x1  }
0x145: {  	(erf) = vpow2.f32 v1;
	_ =	sdelay $0x8  }
0x146: {  	v1 =	vpop (erf)  }
0x147: {  	v2 =	vld [tilespmem:$0xF0];
	v1 =	vadd.f32 $1.000000000e+00, v1  }
0x148: {  	v3 =	vld [tilespmem:$0x2F0]  }
0x149: {  	(erf) = vrcp.f32 v1;
	_ =	sdelay $0x2  }
0x14a: {  	v1 =	vshll.u32 v2, $0x4  }
0x14b: {  	v1 =	vadd.s32 v3, v1  }
0x14c: {  	v1 =	vand.u32 $0x7F, v1  }
0x14d: {  	v1 =	vor.u32 v15, v1;
	_ =	sdelay $0x2  }
0x14e: {  	v2 =	vpop (erf)  }
0x14f: {  	[tilespmem:$0x106E0] =	vst v2  }
0x150: {  	v1 =	vld.idx.msk [tilespmem:v1+s12+$0x0], $0xffff;
	_ =	sdelay $0x4  }
0x151: {  	v1 =	vsub.f32 $0.0e+00, v1;
	_ =	sdelay $0x1  }
0x152: {  	v1 =	vmul.f32 $1.442695020e+00, v1;
	_ =	sdelay $0x1  }
0x153: {  	(erf) = vpow2.f32 v1;
	_ =	sdelay $0x8  }
0x154: {  	v1 =	vpop (erf)  }
0x155: {  	v2 =	vld [tilespmem:$0x100];
	v1 =	vadd.f32 $1.000000000e+00, v1  }
0x156: {  	v3 =	vld [tilespmem:$0x300]  }
0x157: {  	(erf) = vrcp.f32 v1;
	_ =	sdelay $0x2  }
0x158: {  	v1 =	vshll.u32 v2, $0x4  }
0x159: {  	v1 =	vadd.s32 v3, v1  }
0x15a: {  	v1 =	vand.u32 $0x7F, v1  }
0x15b: {  	v1 =	vor.u32 v16, v1;
	_ =	sdelay $0x2  }
0x15c: {  	v2 =	vpop (erf)  }
0x15d: {  	[tilespmem:$0x106F0] =	vst v2  }
0x15e: {  	v1 =	vld.idx.msk [tilespmem:v1+s12+$0x0], $0xffff;
	_ =	sdelay $0x4  }
0x15f: {  	v1 =	vsub.f32 $0.0e+00, v1;
	_ =	sdelay $0x1  }
0x160: {  	v1 =	vmul.f32 $1.442695020e+00, v1;
	_ =	sdelay $0x1  }
0x161: {  	(erf) = vpow2.f32 v1;
	_ =	sdelay $0x8  }
0x162: {  	v1 =	vpop (erf)  }
0x163: {  	v2 =	vld [tilespmem:$0x110];
	v1 =	vadd.f32 $1.000000000e+00, v1  }
0x164: {  	v3 =	vld [tilespmem:$0x310]  }
0x165: {  	(erf) = vrcp.f32 v1;
	_ =	sdelay $0x2  }
0x166: {  	v1 =	vshll.u32 v2, $0x4  }
0x167: {  	v1 =	vadd.s32 v3, v1  }
0x168: {  	v1 =	vand.u32 $0x7F, v1  }
0x169: {  	v1 =	vor.u32 v17, v1;
	_ =	sdelay $0x2  }
0x16a: {  	v2 =	vpop (erf)  }
0x16b: {  	[tilespmem:$0x10700] =	vst v2  }
0x16c: {  	v1 =	vld.idx.msk [tilespmem:v1+s12+$0x0], $0xffff;
	_ =	sdelay $0x4  }
0x16d: {  	v1 =	vsub.f32 $0.0e+00, v1;
	_ =	sdelay $0x1  }
0x16e: {  	v1 =	vmul.f32 $1.442695020e+00, v1;
	_ =	sdelay $0x1  }
0x16f: {  	(erf) = vpow2.f32 v1;
	_ =	sdelay $0x8  }
0x170: {  	v1 =	vpop (erf)  }
0x171: {  	v2 =	vld [tilespmem:$0x120];
	v1 =	vadd.f32 $1.000000000e+00, v1  }
0x172: {  	v3 =	vld [tilespmem:$0x320]  }
0x173: {  	(erf) = vrcp.f32 v1;
	_ =	sdelay $0x2  }
0x174: {  	v1 =	vshll.u32 v2, $0x4  }
0x175: {  	v1 =	vadd.s32 v3, v1  }
0x176: {  	v1 =	vand.u32 $0x7F, v1  }
0x177: {  	v1 =	vor.u32 v18, v1;
	_ =	sdelay $0x2  }
0x178: {  	v2 =	vpop (erf)  }
0x179: {  	[tilespmem:$0x10710] =	vst v2  }
0x17a: {  	v1 =	vld.idx.msk [tilespmem:v1+s12+$0x0], $0xffff;
	_ =	sdelay $0x4  }
0x17b: {  	v1 =	vsub.f32 $0.0e+00, v1;
	_ =	sdelay $0x1  }
0x17c: {  	v1 =	vmul.f32 $1.442695020e+00, v1;
	_ =	sdelay $0x1  }
0x17d: {  	(erf) = vpow2.f32 v1;
	_ =	sdelay $0x8  }
0x17e: {  	v1 =	vpop (erf)  }
0x17f: {  	v2 =	vld [tilespmem:$0x130];
	v1 =	vadd.f32 $1.000000000e+00, v1  }
0x180: {  	v3 =	vld [tilespmem:$0x330]  }
0x181: {  	(erf) = vrcp.f32 v1;
	_ =	sdelay $0x2  }
0x182: {  	v1 =	vshll.u32 v2, $0x4  }
0x183: {  	v1 =	vadd.s32 v3, v1  }
0x184: {  	v1 =	vand.u32 $0x7F, v1  }
0x185: {  	v1 =	vor.u32 v19, v1;
	_ =	sdelay $0x2  }
0x186: {  	v2 =	vpop (erf)  }
0x187: {  	[tilespmem:$0x10720] =	vst v2  }
0x188: {  	v1 =	vld.idx.msk [tilespmem:v1+s12+$0x0], $0xffff;
	_ =	sdelay $0x4  }
0x189: {  	v1 =	vsub.f32 $0.0e+00, v1;
	_ =	sdelay $0x1  }
0x18a: {  	v1 =	vmul.f32 $1.442695020e+00, v1;
	_ =	sdelay $0x1  }
0x18b: {  	(erf) = vpow2.f32 v1;
	_ =	sdelay $0x8  }
0x18c: {  	v1 =	vpop (erf)  }
0x18d: {  	v2 =	vld [tilespmem:$0x140];
	v1 =	vadd.f32 $1.000000000e+00, v1  }
0x18e: {  	v3 =	vld [tilespmem:$0x340]  }
0x18f: {  	(erf) = vrcp.f32 v1;
	_ =	sdelay $0x2  }
0x190: {  	v1 =	vshll.u32 v2, $0x4  }
0x191: {  	v1 =	vadd.s32 v3, v1  }
0x192: {  	v1 =	vand.u32 $0x7F, v1  }
0x193: {  	v1 =	vor.u32 v20, v1;
	_ =	sdelay $0x2  }
0x194: {  	v2 =	vpop (erf)  }
0x195: {  	[tilespmem:$0x10730] =	vst v2  }
0x196: {  	v1 =	vld.idx.msk [tilespmem:v1+s12+$0x0], $0xffff;
	_ =	sdelay $0x4  }
0x197: {  	v1 =	vsub.f32 $0.0e+00, v1;
	_ =	sdelay $0x1  }
0x198: {  	v1 =	vmul.f32 $1.442695020e+00, v1;
	_ =	sdelay $0x1  }
0x199: {  	(erf) = vpow2.f32 v1;
	_ =	sdelay $0x8  }
0x19a: {  	v1 =	vpop (erf)  }
0x19b: {  	v2 =	vld [tilespmem:$0x150];
	v1 =	vadd.f32 $1.000000000e+00, v1  }
0x19c: {  	v3 =	vld [tilespmem:$0x350]  }
0x19d: {  	(erf) = vrcp.f32 v1;
	_ =	sdelay $0x2  }
0x19e: {  	v1 =	vshll.u32 v2, $0x4  }
0x19f: {  	v1 =	vadd.s32 v3, v1  }
0x1a0: {  	v1 =	vand.u32 $0x7F, v1  }
0x1a1: {  	v1 =	vor.u32 v21, v1;
	_ =	sdelay $0x2  }
0x1a2: {  	v2 =	vpop (erf)  }
0x1a3: {  	[tilespmem:$0x10740] =	vst v2  }
0x1a4: {  	v1 =	vld.idx.msk [tilespmem:v1+s12+$0x0], $0xffff;
	_ =	sdelay $0x4  }
0x1a5: {  	v1 =	vsub.f32 $0.0e+00, v1;
	_ =	sdelay $0x1  }
0x1a6: {  	v1 =	vmul.f32 $1.442695020e+00, v1;
	_ =	sdelay $0x1  }
0x1a7: {  	(erf) = vpow2.f32 v1;
	_ =	sdelay $0x8  }
0x1a8: {  	v1 =	vpop (erf)  }
0x1a9: {  	v2 =	vld [tilespmem:$0x160];
	v1 =	vadd.f32 $1.000000000e+00, v1  }
0x1aa: {  	v3 =	vld [tilespmem:$0x360]  }
0x1ab: {  	(erf) = vrcp.f32 v1;
	_ =	sdelay $0x2  }
0x1ac: {  	v1 =	vshll.u32 v2, $0x4  }
0x1ad: {  	v1 =	vadd.s32 v3, v1  }
0x1ae: {  	v1 =	vand.u32 $0x7F, v1  }
0x1af: {  	v1 =	vor.u32 v22, v1;
	_ =	sdelay $0x2  }
0x1b0: {  	v2 =	vpop (erf)  }
0x1b1: {  	[tilespmem:$0x10750] =	vst v2  }
0x1b2: {  	v1 =	vld.idx.msk [tilespmem:v1+s12+$0x0], $0xffff;
	_ =	sdelay $0x4  }
0x1b3: {  	v1 =	vsub.f32 $0.0e+00, v1;
	_ =	sdelay $0x1  }
0x1b4: {  	v1 =	vmul.f32 $1.442695020e+00, v1;
	_ =	sdelay $0x1  }
0x1b5: {  	(erf) = vpow2.f32 v1;
	_ =	sdelay $0x8  }
0x1b6: {  	v1 =	vpop (erf)  }
0x1b7: {  	v2 =	vld [tilespmem:$0x170];
	v1 =	vadd.f32 $1.000000000e+00, v1  }
0x1b8: {  	v3 =	vld [tilespmem:$0x370]  }
0x1b9: {  	(erf) = vrcp.f32 v1;
	_ =	sdelay $0x2  }
0x1ba: {  	v1 =	vshll.u32 v2, $0x4  }
0x1bb: {  	v1 =	vadd.s32 v3, v1  }
0x1bc: {  	v1 =	vand.u32 $0x7F, v1  }
0x1bd: {  	v1 =	vor.u32 v23, v1;
	_ =	sdelay $0x2  }
0x1be: {  	v2 =	vpop (erf)  }
0x1bf: {  	[tilespmem:$0x10760] =	vst v2  }
0x1c0: {  	v1 =	vld.idx.msk [tilespmem:v1+s12+$0x0], $0xffff;
	_ =	sdelay $0x4  }
0x1c1: {  	v1 =	vsub.f32 $0.0e+00, v1;
	_ =	sdelay $0x1  }
0x1c2: {  	v1 =	vmul.f32 $1.442695020e+00, v1;
	_ =	sdelay $0x1  }
0x1c3: {  	(erf) = vpow2.f32 v1;
	_ =	sdelay $0x8  }
0x1c4: {  	v1 =	vpop (erf)  }
0x1c5: {  	v2 =	vld [tilespmem:$0x180];
	v1 =	vadd.f32 $1.000000000e+00, v1  }
0x1c6: {  	v3 =	vld [tilespmem:$0x380]  }
0x1c7: {  	(erf) = vrcp.f32 v1;
	_ =	sdelay $0x2  }
0x1c8: {  	v1 =	vshll.u32 v2, $0x4  }
0x1c9: {  	v1 =	vadd.s32 v3, v1  }
0x1ca: {  	v1 =	vand.u32 $0x7F, v1  }
0x1cb: {  	v1 =	vor.u32 v24, v1;
	_ =	sdelay $0x2  }
0x1cc: {  	v2 =	vpop (erf)  }
0x1cd: {  	[tilespmem:$0x10770] =	vst v2  }
0x1ce: {  	v1 =	vld.idx.msk [tilespmem:v1+s12+$0x0], $0xffff;
	_ =	sdelay $0x4  }
0x1cf: {  	v1 =	vsub.f32 $0.0e+00, v1;
	_ =	sdelay $0x1  }
0x1d0: {  	v1 =	vmul.f32 $1.442695020e+00, v1;
	_ =	sdelay $0x1  }
0x1d1: {  	(erf) = vpow2.f32 v1;
	_ =	sdelay $0x8  }
0x1d2: {  	v1 =	vpop (erf)  }
0x1d3: {  	v2 =	vld [tilespmem:$0x190];
	v1 =	vadd.f32 $1.000000000e+00, v1  }
0x1d4: {  	v3 =	vld [tilespmem:$0x390]  }
0x1d5: {  	(erf) = vrcp.f32 v1;
	_ =	sdelay $0x2  }
0x1d6: {  	v1 =	vshll.u32 v2, $0x4  }
0x1d7: {  	v1 =	vadd.s32 v3, v1  }
0x1d8: {  	v1 =	vand.u32 $0x7F, v1  }
0x1d9: {  	v1 =	vor.u32 v25, v1;
	_ =	sdelay $0x2  }
0x1da: {  	v2 =	vpop (erf)  }
0x1db: {  	[tilespmem:$0x10780] =	vst v2  }
0x1dc: {  	v1 =	vld.idx.msk [tilespmem:v1+s12+$0x0], $0xffff;
	_ =	sdelay $0x4  }
0x1dd: {  	v1 =	vsub.f32 $0.0e+00, v1;
	_ =	sdelay $0x1  }
0x1de: {  	v1 =	vmul.f32 $1.442695020e+00, v1;
	_ =	sdelay $0x1  }
0x1df: {  	(erf) = vpow2.f32 v1;
	_ =	sdelay $0x8  }
0x1e0: {  	v1 =	vpop (erf)  }
0x1e1: {  	v2 =	vld [tilespmem:$0x1A0];
	v1 =	vadd.f32 $1.000000000e+00, v1  }
0x1e2: {  	v3 =	vld [tilespmem:$0x3A0]  }
0x1e3: {  	(erf) = vrcp.f32 v1;
	_ =	sdelay $0x2  }
0x1e4: {  	v1 =	vshll.u32 v2, $0x4  }
0x1e5: {  	v1 =	vadd.s32 v3, v1  }
0x1e6: {  	v1 =	vand.u32 $0x7F, v1  }
0x1e7: {  	v1 =	vor.u32 v26, v1;
	_ =	sdelay $0x2  }
0x1e8: {  	v2 =	vpop (erf)  }
0x1e9: {  	[tilespmem:$0x10790] =	vst v2  }
0x1ea: {  	v1 =	vld.idx.msk [tilespmem:v1+s12+$0x0], $0xffff;
	_ =	sdelay $0x4  }
0x1eb: {  	v1 =	vsub.f32 $0.0e+00, v1;
	_ =	sdelay $0x1  }
0x1ec: {  	v1 =	vmul.f32 $1.442695020e+00, v1;
	_ =	sdelay $0x1  }
0x1ed: {  	(erf) = vpow2.f32 v1;
	_ =	sdelay $0x8  }
0x1ee: {  	v1 =	vpop (erf)  }
0x1ef: {  	v2 =	vld [tilespmem:$0x1B0];
	v1 =	vadd.f32 $1.000000000e+00, v1  }
0x1f0: {  	v3 =	vld [tilespmem:$0x3B0]  }
0x1f1: {  	(erf) = vrcp.f32 v1;
	_ =	sdelay $0x2  }
0x1f2: {  	v1 =	vshll.u32 v2, $0x4  }
0x1f3: {  	v1 =	vadd.s32 v3, v1  }
0x1f4: {  	v1 =	vand.u32 $0x7F, v1  }
0x1f5: {  	v1 =	vor.u32 v27, v1;
	_ =	sdelay $0x2  }
0x1f6: {  	v2 =	vpop (erf)  }
0x1f7: {  	[tilespmem:$0x107A0] =	vst v2  }
0x1f8: {  	v1 =	vld.idx.msk [tilespmem:v1+s12+$0x0], $0xffff;
	_ =	sdelay $0x4  }
0x1f9: {  	v1 =	vsub.f32 $0.0e+00, v1;
	_ =	sdelay $0x1  }
0x1fa: {  	v1 =	vmul.f32 $1.442695020e+00, v1;
	_ =	sdelay $0x1  }
0x1fb: {  	(erf) = vpow2.f32 v1;
	_ =	sdelay $0x8  }
0x1fc: {  	v1 =	vpop (erf)  }
0x1fd: {  	v2 =	vld [tilespmem:$0x1C0];
	v1 =	vadd.f32 $1.000000000e+00, v1  }
0x1fe: {  	v3 =	vld [tilespmem:$0x3C0]  }
0x1ff: {  	(erf) = vrcp.f32 v1;
	_ =	sdelay $0x2  }
0x200: {  	v1 =	vshll.u32 v2, $0x4  }
0x201: {  	v1 =	vadd.s32 v3, v1  }
0x202: {  	v1 =	vand.u32 $0x7F, v1  }
0x203: {  	v1 =	vor.u32 v28, v1;
	_ =	sdelay $0x2  }
0x204: {  	v2 =	vpop (erf)  }
0x205: {  	[tilespmem:$0x107B0] =	vst v2  }
0x206: {  	v1 =	vld.idx.msk [tilespmem:v1+s12+$0x0], $0xffff;
	_ =	sdelay $0x4  }
0x207: {  	v1 =	vsub.f32 $0.0e+00, v1;
	_ =	sdelay $0x1  }
0x208: {  	v1 =	vmul.f32 $1.442695020e+00, v1;
	_ =	sdelay $0x1  }
0x209: {  	(erf) = vpow2.f32 v1;
	_ =	sdelay $0x8  }
0x20a: {  	v1 =	vpop (erf)  }
0x20b: {  	v2 =	vld [tilespmem:$0x1D0];
	v1 =	vadd.f32 $1.000000000e+00, v1  }
0x20c: {  	v3 =	vld [tilespmem:$0x3D0]  }
0x20d: {  	(erf) = vrcp.f32 v1;
	_ =	sdelay $0x2  }
0x20e: {  	v1 =	vshll.u32 v2, $0x4  }
0x20f: {  	v1 =	vadd.s32 v3, v1  }
0x210: {  	v1 =	vand.u32 $0x7F, v1  }
0x211: {  	v1 =	vor.u32 v29, v1;
	_ =	sdelay $0x2  }
0x212: {  	v2 =	vpop (erf)  }
0x213: {  	[tilespmem:$0x107C0] =	vst v2  }
0x214: {  	v1 =	vld.idx.msk [tilespmem:v1+s12+$0x0], $0xffff;
	_ =	sdelay $0x4  }
0x215: {  	v1 =	vsub.f32 $0.0e+00, v1;
	_ =	sdelay $0x1  }
0x216: {  	v1 =	vmul.f32 $1.442695020e+00, v1;
	_ =	sdelay $0x1  }
0x217: {  	(erf) = vpow2.f32 v1;
	_ =	sdelay $0x8  }
0x218: {  	v1 =	vpop (erf)  }
0x219: {  	v2 =	vld [tilespmem:$0x1E0];
	v1 =	vadd.f32 $1.000000000e+00, v1  }
0x21a: {  	v3 =	vld [tilespmem:$0x3E0]  }
0x21b: {  	(erf) = vrcp.f32 v1;
	_ =	sdelay $0x2  }
0x21c: {  	v1 =	vshll.u32 v2, $0x4  }
0x21d: {  	v1 =	vadd.s32 v3, v1  }
0x21e: {  	v1 =	vand.u32 $0x7F, v1  }
0x21f: {  	v1 =	vor.u32 v30, v1;
	_ =	sdelay $0x2  }
0x220: {  	v2 =	vpop (erf)  }
0x221: {  	[tilespmem:$0x107D0] =	vst v2  }
0x222: {  	v1 =	vld.idx.msk [tilespmem:v1+s12+$0x0], $0xffff;
	_ =	sdelay $0x4  }
0x223: {  	v1 =	vsub.f32 $0.0e+00, v1;
	_ =	sdelay $0x1  }
0x224: {  	v1 =	vmul.f32 $1.442695020e+00, v1;
	_ =	sdelay $0x1  }
0x225: {  	(erf) = vpow2.f32 v1;
	_ =	sdelay $0x8  }
0x226: {  	v1 =	vpop (erf)  }
0x227: {  	v2 =	vld [tilespmem:$0x1F0];
	v1 =	vadd.f32 $1.000000000e+00, v1  }
0x228: {  	v3 =	vld [tilespmem:$0x3F0]  }
0x229: {  	(erf) = vrcp.f32 v1;
	_ =	sdelay $0x2  }
0x22a: {  	v1 =	vshll.u32 v2, $0x4  }
0x22b: {  	v1 =	vadd.s32 v3, v1  }
0x22c: {  	v1 =	vand.u32 $0x7F, v1  }
0x22d: {  	v1 =	vor.u32 v31, v1;
	_ =	sdelay $0x2  }
0x22e: {  	v2 =	vpop (erf)  }
0x22f: {  	[tilespmem:$0x107E0] =	vst v2  }
0x230: {  	v1 =	vld.idx.msk [tilespmem:v1+s12+$0x0], $0xffff;
	_ =	sdelay $0x4  }
0x231: {  	v1 =	vsub.f32 $0.0e+00, v1;
	_ =	sdelay $0x1  }
0x232: {  	v1 =	vmul.f32 $1.442695020e+00, v1;
	_ =	sdelay $0x1  }
0x233: {  	(erf) = vpow2.f32 v1;
	_ =	sdelay $0x8  }
0x234: {  	v1 =	vpop (erf)  }
0x235: {  	v1 =	vadd.f32 $1.000000000e+00, v1;
	_ =	sdelay $0x1  }
0x236: {  	(erf) = vrcp.f32 v1;
	_ =	sdelay $0x8  }
0x237: {  	p0 =	sne.s32 s7, $0x1;
	v1 =	vpop (erf)  }
.Ltmp0:
0x238: {  	[tilespmem:$0x107F0] =	vst v1;
	(pc) =	sbr.rel @p0 .LBB2_1-.Ltmp0, $4  }
0x239: {  	[hbm4b:s6+s1] =	stream.linear.scatter [tilespmem:s19], [sflag:$0x2], $0x200, $0x38;
	[tilespmem:$0x10800] =	vst v63  }
0x23a: {  	_ =	swait.ge [sflag:s20], $0x200  }
0x23b: {  	[sflag:s20] =	ssyncset.done $0x0  }
0x23c: {  	s7 =	sadd.s32 $0xFFFFFFFF, s7;
	[sflag:s20] =	ssyncadd.s32 $0xFFFFFE00  }
0x23d: {  	_ =	sfence.sel $0x180000  }
0x23e: {  	[bflag:$0x0] =	sbarrier.arrive $0xFFFF  }
0x23f: {  	p0 =	sne.s32 s2, $0x0;
	_ =	strace $0x90000047  }
0x240: {  	s0 =	sadd.s32 @!p0 $0x100000, s0;
	[bflag:$0x2] =	sbarrier.arrive $0xFFFF  }
0x241: {  	[sflag:s0] =	ssyncadd.tile.s32 @!p0 $0x1;
	_ =	shalt  }
.Lfunc_end2:
_tile_overlayer_lowered:
.L_overlay_start_2:
0x242: {  	(tag) =	ssettag $0x2  }
0x243: {  	s0 =	rddreg [dreg:$0x0];
	s2 =	stileid.u32  }
0x244: {  	s1 =	rddreg [dreg:$0x1];
	p0 =	sne.s32 s2, $0x0  }
0x245: {  	s3 =	rddreg [dreg:$0x2];
	[bflag:$0x3] =	sbarrier.arrive $0xFFFF;
	s2 =	simm.s32 @!p0 $0x1C02  }
0x246: {  	[timem:s3], [sflag:s2] =	dma.local @!p0 [hbm:s0], s1  }
0x247: {  	s0 =	simm.s32 @!p0 $0x2  }
0x248: {  	_ =	swait.ge @!p0 [sflag:s0], s1  }
0x249: {  	s1 =	ssub.s32 @!p0 $0x0, s1;
	[sflag:s0] =	ssyncset.done @!p0 $0x0  }
0x24a: {  	[sflag:s0] =	ssyncadd.s32 @!p0 s1  }
0x24b: {  	[bflag:$0x3] =	sbarrier.arrive $0xFFFF  }
0x24c: {  	_ =	shalt  }

</sc_bundles>
